<compile_context>
chip_gen: v7x
topology: tpu7x:2x2x1
jax: 0.10.2.dev20260603
libtpu: 0.0.44.dev20260713+nightly
codegen_flags: <defaults>
</compile_context>

<pallas_src>
import functools

import jax
import jax.numpy as jnp
from jax import lax
from jax.experimental import pallas as pl
from jax.experimental.pallas import tpu as pltpu
from jax.experimental.pallas import tpu_sc as plsc

EMBED = 64
LANES = 16
NUM_WORKERS = 32
HIST = 200
NB = 4
SCALE = 8.0


def _body(x_hbm, tab_hbm, out_hbm, *scratch):
    idx = scratch[0:NB]
    rows = scratch[NB:2 * NB]
    gsem = scratch[2 * NB:3 * NB]
    ssem = scratch[3 * NB:4 * NB]

    wid = lax.axis_index("s") * 2 + lax.axis_index("c")
    n_rows = x_hbm.shape[0] // HIST
    per_w = n_rows // NUM_WORKERS
    base = wid * per_w

    def fill(c, b):
        start = (base + c) * HIST
        pltpu.sync_copy(x_hbm.at[pl.ds(start, HIST)], idx[b])
        pltpu.async_copy(tab_hbm.at[idx[b]], rows[b], gsem[b])

    def wait_gather(b):
        pltpu.make_async_copy(
            tab_hbm.at[pl.ds(0, HIST)], rows[b], gsem[b]
        ).wait()

    def store(c, b):
        pltpu.async_copy(
            rows[b],
            out_hbm.at[pl.ds((base + c) * HIST, HIST), pl.ds(0, EMBED)],
            ssem[b],
        )

    def wait_store(b):
        pltpu.make_async_copy(
            rows[b],
            out_hbm.at[pl.ds(base * HIST, HIST), pl.ds(0, EMBED)],
            ssem[b],
        ).wait()

    def scale(b):
        rb = rows[b]

        @plsc.parallel_loop(0, HIST, step=1, unroll=8)
        def _(r):
            for j in range(EMBED // LANES):
                sl = pl.ds(j * LANES, LANES)
                rb[r, sl] = rb[r, sl] * SCALE

    fill(0, 0)
    fill(1, 1)

    def group(g, carry):
        for b in range(NB):
            c = g * NB + b
            br = (b + 2) % NB
            cr = c + 2

            @pl.when(cr < per_w)
            def _():
                @pl.when(c >= 2)
                def _():
                    wait_store(br)

                fill(cr, br)

            wait_gather(b)
            scale(b)
            store(c, b)
        return carry

    lax.fori_loop(0, per_w // NB, group, 0)
    for b in range(NB):
        wait_store(b)


def kernel(x, table):
    b, h = x.shape
    n = b * h
    xf = x.reshape(n).astype(jnp.int32)

    mesh = plsc.VectorSubcoreMesh(core_axis_name="c", subcore_axis_name="s")
    scratch = (
        [pltpu.VMEM((HIST,), jnp.int32) for _ in range(NB)]
        + [pltpu.VMEM((HIST, EMBED), jnp.float32) for _ in range(NB)]
        + [pltpu.SemaphoreType.DMA for _ in range(2 * NB)]
    )
    k = functools.partial(
        pl.kernel,
        out_type=jax.ShapeDtypeStruct((n, 2 * EMBED), jnp.float32),
        mesh=mesh,
        scratch_types=scratch,
        compiler_params=pltpu.CompilerParams(use_tc_tiling_on_sc=False),
    )(_body)
    out = k(xf, table)
    return out[:, :EMBED].reshape(b, h, EMBED)

# --- scband reference (transcript-rebuilt; emitter-appended) ---
"""Pipeline reference for scband-embeddings-51788715655640 (READ-ONLY COPY).

The authoritative reference and input builder live on the scoring server;
editing this copy changes nothing except your own understanding.
"""

import jax, jax.numpy as jnp
import numpy as np

EMBED_DIM = 64
VOCAB_SIZE = 1000000
BATCH = 4096
HIST = 200

def setup_inputs(seed: int = 0) -> dict:
    key = jax.random.key(seed)
    k_idx, k_tab = jax.random.split(key)
    x = jax.random.randint(k_idx, (BATCH, HIST), 0, VOCAB_SIZE, dtype=jnp.int64 if jax.config.jax_enable_x64 else jnp.int32)
    table = jax.random.normal(k_tab, (VOCAB_SIZE, EMBED_DIM), dtype=jnp.float32)
    return {"x": x, "table": table}

def reference(x, table):
    # nn.Embedding lookup followed by sqrt(embed_dim) scaling
    emb = jnp.take(table, x, axis=0)
    scale = jnp.sqrt(jnp.asarray(EMBED_DIM, dtype=jnp.float32))
    return emb * scale

if __name__ == "__main__":
    import jax
    _d = setup_inputs()
    print(jax.jit(kernel)(*tuple(_d.values())))

</pallas_src>

<mosaic_0001>
#map = affine_map<(d0, d1) -> (0)>
#map1 = affine_map<(d0, d1) -> (0, 0)>
module attributes {stable_mosaic.version = 14 : i64} {
  func.func @_body(%arg0: i32, %arg1: i32, %arg2: memref<819200xi32, #tpu.memory_space<hbm>>, %arg3: memref<1000000x64xf32, #tpu.memory_space<hbm>>, %arg4: memref<819200x128xf32, #tpu.memory_space<hbm>>, %arg5: memref<200xi32, #tpu.memory_space<vmem>>, %arg6: memref<200xi32, #tpu.memory_space<vmem>>, %arg7: memref<200xi32, #tpu.memory_space<vmem>>, %arg8: memref<200xi32, #tpu.memory_space<vmem>>, %arg9: memref<200x64xf32, #tpu.memory_space<vmem>>, %arg10: memref<200x64xf32, #tpu.memory_space<vmem>>, %arg11: memref<200x64xf32, #tpu.memory_space<vmem>>, %arg12: memref<200x64xf32, #tpu.memory_space<vmem>>, %arg13: memref<!tpu.dma_semaphore, #tpu.memory_space<semaphore_mem>>, %arg14: memref<!tpu.dma_semaphore, #tpu.memory_space<semaphore_mem>>, %arg15: memref<!tpu.dma_semaphore, #tpu.memory_space<semaphore_mem>>, %arg16: memref<!tpu.dma_semaphore, #tpu.memory_space<semaphore_mem>>, %arg17: memref<!tpu.dma_semaphore, #tpu.memory_space<semaphore_mem>>, %arg18: memref<!tpu.dma_semaphore, #tpu.memory_space<semaphore_mem>>, %arg19: memref<!tpu.dma_semaphore, #tpu.memory_space<semaphore_mem>>, %arg20: memref<!tpu.dma_semaphore, #tpu.memory_space<semaphore_mem>>) attributes {dimension_semantics = [#tpu.dimension_semantics<core_parallel>, #tpu.dimension_semantics<subcore_parallel>], iteration_bounds = array<i64: 2, 16>, scalar_prefetch = 0 : i64, scratch_operands = 16 : i64, tpu.core_type = #tpu.core_type<sc_vector_subcore>, window_params = [{transform_indices = #map}, {transform_indices = #map1}, {transform_indices = #map1}]} {
    %mul3A = arith.constant 2 : i32
    %mul3A_0 = arith.muli %arg1, %mul3A : i32
    %add3A = arith.addi %mul3A_0, %arg0 : i32
    %mul3A_1 = arith.constant 128 : i32
    %mul3A_2 = arith.muli %add3A, %mul3A_1 : i32
    %add3A_3 = arith.constant 0 : i32
    %add3A_4 = arith.addi %mul3A_2, %add3A_3 : i32
    %mul3A_5 = arith.constant 200 : i32
    %mul3A_6 = arith.muli %add3A_4, %mul3A_5 : i32
    "tpu.region"() ({
      %run_scoped3A = tpu.sem_alloc : memref<!tpu.dma_semaphore, #tpu.memory_space<semaphore_mem>>
      %dma_start3A_44 = tpu.memref_slice %arg2[%mul3A_6] : memref<819200xi32, #tpu.memory_space<hbm>> -> memref<200xi32, #tpu.memory_space<hbm>>
      %dma_start3A_45 = tpu.memref_slice %arg2[%mul3A_6] : memref<819200xi32, #tpu.memory_space<hbm>> -> memref<200xi32, #tpu.memory_space<hbm>>
      tpu.enqueue_dma source(%dma_start3A_45 : memref<200xi32, #tpu.memory_space<hbm>>) target(%arg5 : memref<200xi32, #tpu.memory_space<vmem>>) target_semaphore(%run_scoped3A : memref<!tpu.dma_semaphore, #tpu.memory_space<semaphore_mem>>)
      %dma_wait3A_46 = tpu.memref_slice %arg2[%mul3A_6] : memref<819200xi32, #tpu.memory_space<hbm>> -> memref<200xi32, #tpu.memory_space<hbm>>
      %dma_wait3A_47 = tpu.memref_slice %arg2[%mul3A_6] : memref<819200xi32, #tpu.memory_space<hbm>> -> memref<200xi32, #tpu.memory_space<hbm>>
      tpu.wait_dma2 semaphore(%run_scoped3A : memref<!tpu.dma_semaphore, #tpu.memory_space<semaphore_mem>>) src(%dma_wait3A_47 : memref<200xi32, #tpu.memory_space<hbm>>) dst(%arg5 : memref<200xi32, #tpu.memory_space<vmem>>)
      tpu.yield
    }) : () -> ()
    %dma_start3A = arith.constant 0 : i32
    %dma_start3A_7 = arith.constant 0 : i32
    %dma_start3A_8 = tpu.memref_slice %arg3[%dma_start3A, %dma_start3A_7] : memref<1000000x64xf32, #tpu.memory_space<hbm>> -> memref<1000000x64xf32, #tpu.memory_space<hbm>>
    tpu.enqueue_indirect_dma source(%dma_start3A_8 : memref<1000000x64xf32, #tpu.memory_space<hbm>>) target(%arg9 : memref<200x64xf32, #tpu.memory_space<vmem>>) offsets(%arg5 : memref<200xi32, #tpu.memory_space<vmem>>) semaphore(%arg13 : memref<!tpu.dma_semaphore, #tpu.memory_space<semaphore_mem>>)
    %add3A_9 = arith.constant 1 : i32
    %add3A_10 = arith.addi %mul3A_2, %add3A_9 : i32
    %mul3A_11 = arith.constant 200 : i32
    %mul3A_12 = arith.muli %add3A_10, %mul3A_11 : i32
    "tpu.region"() ({
      %run_scoped3A = tpu.sem_alloc : memref<!tpu.dma_semaphore, #tpu.memory_space<semaphore_mem>>
      %dma_start3A_44 = tpu.memref_slice %arg2[%mul3A_12] : memref<819200xi32, #tpu.memory_space<hbm>> -> memref<200xi32, #tpu.memory_space<hbm>>
      %dma_start3A_45 = tpu.memref_slice %arg2[%mul3A_12] : memref<819200xi32, #tpu.memory_space<hbm>> -> memref<200xi32, #tpu.memory_space<hbm>>
      tpu.enqueue_dma source(%dma_start3A_45 : memref<200xi32, #tpu.memory_space<hbm>>) target(%arg6 : memref<200xi32, #tpu.memory_space<vmem>>) target_semaphore(%run_scoped3A : memref<!tpu.dma_semaphore, #tpu.memory_space<semaphore_mem>>)
      %dma_wait3A_46 = tpu.memref_slice %arg2[%mul3A_12] : memref<819200xi32, #tpu.memory_space<hbm>> -> memref<200xi32, #tpu.memory_space<hbm>>
      %dma_wait3A_47 = tpu.memref_slice %arg2[%mul3A_12] : memref<819200xi32, #tpu.memory_space<hbm>> -> memref<200xi32, #tpu.memory_space<hbm>>
      tpu.wait_dma2 semaphore(%run_scoped3A : memref<!tpu.dma_semaphore, #tpu.memory_space<semaphore_mem>>) src(%dma_wait3A_47 : memref<200xi32, #tpu.memory_space<hbm>>) dst(%arg6 : memref<200xi32, #tpu.memory_space<vmem>>)
      tpu.yield
    }) : () -> ()
    %dma_start3A_13 = arith.constant 0 : i32
    %dma_start3A_14 = arith.constant 0 : i32
    %dma_start3A_15 = tpu.memref_slice %arg3[%dma_start3A_13, %dma_start3A_14] : memref<1000000x64xf32, #tpu.memory_space<hbm>> -> memref<1000000x64xf32, #tpu.memory_space<hbm>>
    tpu.enqueue_indirect_dma source(%dma_start3A_15 : memref<1000000x64xf32, #tpu.memory_space<hbm>>) target(%arg10 : memref<200x64xf32, #tpu.memory_space<vmem>>) offsets(%arg6 : memref<200xi32, #tpu.memory_space<vmem>>) semaphore(%arg14 : memref<!tpu.dma_semaphore, #tpu.memory_space<semaphore_mem>>)
    %scan3A = arith.constant 0 : i32
    %scan3A_16 = arith.constant 0 : i32
    %scan3A_17 = arith.constant 32 : i32
    %scan3A_18 = arith.addi %scan3A_16, %scan3A_17 : i32
    %scan3A_19 = arith.constant 1 : i32
    scf.for %scan3A_44 = %scan3A_16 to %scan3A_18 step %scan3A_19  : i32 {
      %mul3A_45 = arith.constant 4 : i32
      %mul3A_46 = arith.muli %scan3A_44, %mul3A_45 : i32
      %add3A_47 = arith.constant 0 : i32
      %add3A_48 = arith.addi %mul3A_46, %add3A_47 : i32
      %add3A_49 = arith.constant 2 : i32
      %add3A_50 = arith.addi %add3A_48, %add3A_49 : i32
      %lt3A = arith.constant 128 : i32
      %lt3A_51 = arith.cmpi slt, %add3A_50, %lt3A : i32
      %convert_element_type3A = arith.extui %lt3A_51 : i1 to i32
      %cond3A = arith.constant 0 : i32
      %cond3A_52 = arith.cmpi ne, %convert_element_type3A, %cond3A : i32
      scf.if %cond3A_52 {
        %ge3A = arith.constant 2 : i32
        %ge3A_149 = arith.cmpi sge, %add3A_48, %ge3A : i32
        %convert_element_type3A_150 = arith.extui %ge3A_149 : i1 to i32
        %cond3A_151 = arith.constant 0 : i32
        %cond3A_152 = arith.cmpi ne, %convert_element_type3A_150, %cond3A_151 : i32
        scf.if %cond3A_152 {
          %mul3A_159 = arith.constant 200 : i32
          %mul3A_160 = arith.muli %mul3A_2, %mul3A_159 : i32
          %dma_wait3A_161 = arith.constant 0 : i32
          %dma_wait3A_162 = tpu.memref_slice %arg4[%mul3A_160, %dma_wait3A_161] : memref<819200x128xf32, #tpu.memory_space<hbm>> -> memref<200x64xf32, #tpu.memory_space<hbm>>
          %dma_wait3A_163 = arith.constant 0 : i32
          %dma_wait3A_164 = tpu.memref_slice %arg4[%mul3A_160, %dma_wait3A_163] : memref<819200x128xf32, #tpu.memory_space<hbm>> -> memref<200x64xf32, #tpu.memory_space<hbm>>
          tpu.wait_dma2 semaphore(%arg19 : memref<!tpu.dma_semaphore, #tpu.memory_space<semaphore_mem>>) src(%arg11 : memref<200x64xf32, #tpu.memory_space<vmem>>) dst(%dma_wait3A_164 : memref<200x64xf32, #tpu.memory_space<hbm>>)
        } else {
        }
        %add3A_153 = arith.addi %mul3A_2, %add3A_50 : i32
        %mul3A_154 = arith.constant 200 : i32
        %mul3A_155 = arith.muli %add3A_153, %mul3A_154 : i32
        "tpu.region"() ({
          %run_scoped3A = tpu.sem_alloc : memref<!tpu.dma_semaphore, #tpu.memory_space<semaphore_mem>>
          %dma_start3A_159 = tpu.memref_slice %arg2[%mul3A_155] : memref<819200xi32, #tpu.memory_space<hbm>> -> memref<200xi32, #tpu.memory_space<hbm>>
          %dma_start3A_160 = tpu.memref_slice %arg2[%mul3A_155] : memref<819200xi32, #tpu.memory_space<hbm>> -> memref<200xi32, #tpu.memory_space<hbm>>
          tpu.enqueue_dma source(%dma_start3A_160 : memref<200xi32, #tpu.memory_space<hbm>>) target(%arg7 : memref<200xi32, #tpu.memory_space<vmem>>) target_semaphore(%run_scoped3A : memref<!tpu.dma_semaphore, #tpu.memory_space<semaphore_mem>>)
          %dma_wait3A_161 = tpu.memref_slice %arg2[%mul3A_155] : memref<819200xi32, #tpu.memory_space<hbm>> -> memref<200xi32, #tpu.memory_space<hbm>>
          %dma_wait3A_162 = tpu.memref_slice %arg2[%mul3A_155] : memref<819200xi32, #tpu.memory_space<hbm>> -> memref<200xi32, #tpu.memory_space<hbm>>
          tpu.wait_dma2 semaphore(%run_scoped3A : memref<!tpu.dma_semaphore, #tpu.memory_space<semaphore_mem>>) src(%dma_wait3A_162 : memref<200xi32, #tpu.memory_space<hbm>>) dst(%arg7 : memref<200xi32, #tpu.memory_space<vmem>>)
          tpu.yield
        }) : () -> ()
        %dma_start3A_156 = arith.constant 0 : i32
        %dma_start3A_157 = arith.constant 0 : i32
        %dma_start3A_158 = tpu.memref_slice %arg3[%dma_start3A_156, %dma_start3A_157] : memref<1000000x64xf32, #tpu.memory_space<hbm>> -> memref<1000000x64xf32, #tpu.memory_space<hbm>>
        tpu.enqueue_indirect_dma source(%dma_start3A_158 : memref<1000000x64xf32, #tpu.memory_space<hbm>>) target(%arg11 : memref<200x64xf32, #tpu.memory_space<vmem>>) offsets(%arg7 : memref<200xi32, #tpu.memory_space<vmem>>) semaphore(%arg15 : memref<!tpu.dma_semaphore, #tpu.memory_space<semaphore_mem>>)
      } else {
      }
      %dma_wait3A_53 = arith.constant 0 : i32
      %dma_wait3A_54 = arith.constant 0 : i32
      %dma_wait3A_55 = tpu.memref_slice %arg3[%dma_wait3A_53, %dma_wait3A_54] : memref<1000000x64xf32, #tpu.memory_space<hbm>> -> memref<200x64xf32, #tpu.memory_space<hbm>>
      %dma_wait3A_56 = arith.constant 0 : i32
      %dma_wait3A_57 = arith.constant 0 : i32
      %dma_wait3A_58 = tpu.memref_slice %arg3[%dma_wait3A_56, %dma_wait3A_57] : memref<1000000x64xf32, #tpu.memory_space<hbm>> -> memref<200x64xf32, #tpu.memory_space<hbm>>
      tpu.wait_dma2 semaphore(%arg13 : memref<!tpu.dma_semaphore, #tpu.memory_space<semaphore_mem>>) src(%dma_wait3A_58 : memref<200x64xf32, #tpu.memory_space<hbm>>) dst(%arg9 : memref<200x64xf32, #tpu.memory_space<vmem>>)
      %parallel_loop3A = arith.constant 0 : i32
      %parallel_loop3A_59 = arith.constant 200 : i32
      %parallel_loop3A_60 = arith.constant 1 : i32
      scf.for %parallel_loop3A_149 = %parallel_loop3A to %parallel_loop3A_59 step %parallel_loop3A_60  : i32 {
        %parallel_loop3A_150 = arith.index_cast %parallel_loop3A_149 : i32 to index
        %parallel_loop3A_151 = arith.constant 0 : index
        %parallel_loop3A_152 = tpu.vector_load %arg9[%parallel_loop3A_150, %parallel_loop3A_151] {strides = array<i32>} : memref<200x64xf32, #tpu.memory_space<vmem>>, vector<1x16xf32>,
        %parallel_loop3A_153 = vector.shape_cast %parallel_loop3A_152 : vector<1x16xf32> to vector<16xf32>
        %parallel_loop3A_154 = arith.constant 8.000000e+00 : f32
        %parallel_loop3A_155 = vector.broadcast %parallel_loop3A_154 : f32 to vector<16xf32>
        %parallel_loop3A_156 = arith.mulf %parallel_loop3A_153, %parallel_loop3A_155 : vector<16xf32>
        %parallel_loop3A_157 = arith.index_cast %parallel_loop3A_149 : i32 to index
        %parallel_loop3A_158 = arith.constant 0 : index
        %parallel_loop3A_159 = tpu.vector_load %arg9[%parallel_loop3A_157, %parallel_loop3A_158] {strides = array<i32>} : memref<200x64xf32, #tpu.memory_space<vmem>>, vector<1x16xf32>,
        %parallel_loop3A_160 = vector.shape_cast %parallel_loop3A_159 : vector<1x16xf32> to vector<16xf32>
        %parallel_loop3A_161 = vector.shape_cast %parallel_loop3A_156 : vector<16xf32> to vector<1x16xf32>
        tpu.vector_store %arg9[%parallel_loop3A_157, %parallel_loop3A_158], %parallel_loop3A_161 {strides = array<i32>} : memref<200x64xf32, #tpu.memory_space<vmem>>, vector<1x16xf32>,
        %parallel_loop3A_162 = arith.index_cast %parallel_loop3A_149 : i32 to index
        %parallel_loop3A_163 = arith.constant 16 : index
        %parallel_loop3A_164 = tpu.vector_load %arg9[%parallel_loop3A_162, %parallel_loop3A_163] {strides = array<i32>} : memref<200x64xf32, #tpu.memory_space<vmem>>, vector<1x16xf32>,
        %parallel_loop3A_165 = vector.shape_cast %parallel_loop3A_164 : vector<1x16xf32> to vector<16xf32>
        %parallel_loop3A_166 = arith.constant 8.000000e+00 : f32
        %parallel_loop3A_167 = vector.broadcast %parallel_loop3A_166 : f32 to vector<16xf32>
        %parallel_loop3A_168 = arith.mulf %parallel_loop3A_165, %parallel_loop3A_167 : vector<16xf32>
        %parallel_loop3A_169 = arith.index_cast %parallel_loop3A_149 : i32 to index
        %parallel_loop3A_170 = arith.constant 16 : index
        %parallel_loop3A_171 = tpu.vector_load %arg9[%parallel_loop3A_169, %parallel_loop3A_170] {strides = array<i32>} : memref<200x64xf32, #tpu.memory_space<vmem>>, vector<1x16xf32>,
        %parallel_loop3A_172 = vector.shape_cast %parallel_loop3A_171 : vector<1x16xf32> to vector<16xf32>
        %parallel_loop3A_173 = vector.shape_cast %parallel_loop3A_168 : vector<16xf32> to vector<1x16xf32>
        tpu.vector_store %arg9[%parallel_loop3A_169, %parallel_loop3A_170], %parallel_loop3A_173 {strides = array<i32>} : memref<200x64xf32, #tpu.memory_space<vmem>>, vector<1x16xf32>,
        %parallel_loop3A_174 = arith.index_cast %parallel_loop3A_149 : i32 to index
        %parallel_loop3A_175 = arith.constant 32 : index
        %parallel_loop3A_176 = tpu.vector_load %arg9[%parallel_loop3A_174, %parallel_loop3A_175] {strides = array<i32>} : memref<200x64xf32, #tpu.memory_space<vmem>>, vector<1x16xf32>,
        %parallel_loop3A_177 = vector.shape_cast %parallel_loop3A_176 : vector<1x16xf32> to vector<16xf32>
        %parallel_loop3A_178 = arith.constant 8.000000e+00 : f32
        %parallel_loop3A_179 = vector.broadcast %parallel_loop3A_178 : f32 to vector<16xf32>
        %parallel_loop3A_180 = arith.mulf %parallel_loop3A_177, %parallel_loop3A_179 : vector<16xf32>
        %parallel_loop3A_181 = arith.index_cast %parallel_loop3A_149 : i32 to index
        %parallel_loop3A_182 = arith.constant 32 : index
        %parallel_loop3A_183 = tpu.vector_load %arg9[%parallel_loop3A_181, %parallel_loop3A_182] {strides = array<i32>} : memref<200x64xf32, #tpu.memory_space<vmem>>, vector<1x16xf32>,
        %parallel_loop3A_184 = vector.shape_cast %parallel_loop3A_183 : vector<1x16xf32> to vector<16xf32>
        %parallel_loop3A_185 = vector.shape_cast %parallel_loop3A_180 : vector<16xf32> to vector<1x16xf32>
        tpu.vector_store %arg9[%parallel_loop3A_181, %parallel_loop3A_182], %parallel_loop3A_185 {strides = array<i32>} : memref<200x64xf32, #tpu.memory_space<vmem>>, vector<1x16xf32>,
        %parallel_loop3A_186 = arith.index_cast %parallel_loop3A_149 : i32 to index
        %parallel_loop3A_187 = arith.constant 48 : index
        %parallel_loop3A_188 = tpu.vector_load %arg9[%parallel_loop3A_186, %parallel_loop3A_187] {strides = array<i32>} : memref<200x64xf32, #tpu.memory_space<vmem>>, vector<1x16xf32>,
        %parallel_loop3A_189 = vector.shape_cast %parallel_loop3A_188 : vector<1x16xf32> to vector<16xf32>
        %parallel_loop3A_190 = arith.constant 8.000000e+00 : f32
        %parallel_loop3A_191 = vector.broadcast %parallel_loop3A_190 : f32 to vector<16xf32>
        %parallel_loop3A_192 = arith.mulf %parallel_loop3A_189, %parallel_loop3A_191 : vector<16xf32>
        %parallel_loop3A_193 = arith.index_cast %parallel_loop3A_149 : i32 to index
        %parallel_loop3A_194 = arith.constant 48 : index
        %parallel_loop3A_195 = tpu.vector_load %arg9[%parallel_loop3A_193, %parallel_loop3A_194] {strides = array<i32>} : memref<200x64xf32, #tpu.memory_space<vmem>>, vector<1x16xf32>,
        %parallel_loop3A_196 = vector.shape_cast %parallel_loop3A_195 : vector<1x16xf32> to vector<16xf32>
        %parallel_loop3A_197 = vector.shape_cast %parallel_loop3A_192 : vector<16xf32> to vector<1x16xf32>
        tpu.vector_store %arg9[%parallel_loop3A_193, %parallel_loop3A_194], %parallel_loop3A_197 {strides = array<i32>} : memref<200x64xf32, #tpu.memory_space<vmem>>, vector<1x16xf32>,
      } {sc.loop_unroll_factor = 8 : i64, sc.parallel_access}
      %add3A_61 = arith.addi %mul3A_2, %add3A_48 : i32
      %mul3A_62 = arith.constant 200 : i32
      %mul3A_63 = arith.muli %add3A_61, %mul3A_62 : i32
      %dma_start3A_64 = arith.constant 0 : i32
      %dma_start3A_65 = tpu.memref_slice %arg4[%mul3A_63, %dma_start3A_64] : memref<819200x128xf32, #tpu.memory_space<hbm>> -> memref<200x64xf32, #tpu.memory_space<hbm>>
      %dma_start3A_66 = arith.constant 0 : i32
      %dma_start3A_67 = tpu.memref_slice %arg4[%mul3A_63, %dma_start3A_66] : memref<819200x128xf32, #tpu.memory_space<hbm>> -> memref<200x64xf32, #tpu.memory_space<hbm>>
      tpu.enqueue_dma source(%arg9 : memref<200x64xf32, #tpu.memory_space<vmem>>) target(%dma_start3A_67 : memref<200x64xf32, #tpu.memory_space<hbm>>) target_semaphore(%arg17 : memref<!tpu.dma_semaphore, #tpu.memory_space<semaphore_mem>>)
      %mul3A_68 = arith.constant 4 : i32
      %mul3A_69 = arith.muli %scan3A_44, %mul3A_68 : i32
      %add3A_70 = arith.constant 1 : i32
      %add3A_71 = arith.addi %mul3A_69, %add3A_70 : i32
      %add3A_72 = arith.constant 2 : i32
      %add3A_73 = arith.addi %add3A_71, %add3A_72 : i32
      %lt3A_74 = arith.constant 128 : i32
      %lt3A_75 = arith.cmpi slt, %add3A_73, %lt3A_74 : i32
      %convert_element_type3A_76 = arith.extui %lt3A_75 : i1 to i32
      %cond3A_77 = arith.constant 0 : i32
      %cond3A_78 = arith.cmpi ne, %convert_element_type3A_76, %cond3A_77 : i32
      scf.if %cond3A_78 {
        %ge3A = arith.constant 2 : i32
        %ge3A_149 = arith.cmpi sge, %add3A_71, %ge3A : i32
        %convert_element_type3A_150 = arith.extui %ge3A_149 : i1 to i32
        %cond3A_151 = arith.constant 0 : i32
        %cond3A_152 = arith.cmpi ne, %convert_element_type3A_150, %cond3A_151 : i32
        scf.if %cond3A_152 {
          %mul3A_159 = arith.constant 200 : i32
          %mul3A_160 = arith.muli %mul3A_2, %mul3A_159 : i32
          %dma_wait3A_161 = arith.constant 0 : i32
          %dma_wait3A_162 = tpu.memref_slice %arg4[%mul3A_160, %dma_wait3A_161] : memref<819200x128xf32, #tpu.memory_space<hbm>> -> memref<200x64xf32, #tpu.memory_space<hbm>>
          %dma_wait3A_163 = arith.constant 0 : i32
          %dma_wait3A_164 = tpu.memref_slice %arg4[%mul3A_160, %dma_wait3A_163] : memref<819200x128xf32, #tpu.memory_space<hbm>> -> memref<200x64xf32, #tpu.memory_space<hbm>>
          tpu.wait_dma2 semaphore(%arg20 : memref<!tpu.dma_semaphore, #tpu.memory_space<semaphore_mem>>) src(%arg12 : memref<200x64xf32, #tpu.memory_space<vmem>>) dst(%dma_wait3A_164 : memref<200x64xf32, #tpu.memory_space<hbm>>)
        } else {
        }
        %add3A_153 = arith.addi %mul3A_2, %add3A_73 : i32
        %mul3A_154 = arith.constant 200 : i32
        %mul3A_155 = arith.muli %add3A_153, %mul3A_154 : i32
        "tpu.region"() ({
          %run_scoped3A = tpu.sem_alloc : memref<!tpu.dma_semaphore, #tpu.memory_space<semaphore_mem>>
          %dma_start3A_159 = tpu.memref_slice %arg2[%mul3A_155] : memref<819200xi32, #tpu.memory_space<hbm>> -> memref<200xi32, #tpu.memory_space<hbm>>
          %dma_start3A_160 = tpu.memref_slice %arg2[%mul3A_155] : memref<819200xi32, #tpu.memory_space<hbm>> -> memref<200xi32, #tpu.memory_space<hbm>>
          tpu.enqueue_dma source(%dma_start3A_160 : memref<200xi32, #tpu.memory_space<hbm>>) target(%arg8 : memref<200xi32, #tpu.memory_space<vmem>>) target_semaphore(%run_scoped3A : memref<!tpu.dma_semaphore, #tpu.memory_space<semaphore_mem>>)
          %dma_wait3A_161 = tpu.memref_slice %arg2[%mul3A_155] : memref<819200xi32, #tpu.memory_space<hbm>> -> memref<200xi32, #tpu.memory_space<hbm>>
          %dma_wait3A_162 = tpu.memref_slice %arg2[%mul3A_155] : memref<819200xi32, #tpu.memory_space<hbm>> -> memref<200xi32, #tpu.memory_space<hbm>>
          tpu.wait_dma2 semaphore(%run_scoped3A : memref<!tpu.dma_semaphore, #tpu.memory_space<semaphore_mem>>) src(%dma_wait3A_162 : memref<200xi32, #tpu.memory_space<hbm>>) dst(%arg8 : memref<200xi32, #tpu.memory_space<vmem>>)
          tpu.yield
        }) : () -> ()
        %dma_start3A_156 = arith.constant 0 : i32
        %dma_start3A_157 = arith.constant 0 : i32
        %dma_start3A_158 = tpu.memref_slice %arg3[%dma_start3A_156, %dma_start3A_157] : memref<1000000x64xf32, #tpu.memory_space<hbm>> -> memref<1000000x64xf32, #tpu.memory_space<hbm>>
        tpu.enqueue_indirect_dma source(%dma_start3A_158 : memref<1000000x64xf32, #tpu.memory_space<hbm>>) target(%arg12 : memref<200x64xf32, #tpu.memory_space<vmem>>) offsets(%arg8 : memref<200xi32, #tpu.memory_space<vmem>>) semaphore(%arg16 : memref<!tpu.dma_semaphore, #tpu.memory_space<semaphore_mem>>)
      } else {
      }
      %dma_wait3A_79 = arith.constant 0 : i32
      %dma_wait3A_80 = arith.constant 0 : i32
      %dma_wait3A_81 = tpu.memref_slice %arg3[%dma_wait3A_79, %dma_wait3A_80] : memref<1000000x64xf32, #tpu.memory_space<hbm>> -> memref<200x64xf32, #tpu.memory_space<hbm>>
      %dma_wait3A_82 = arith.constant 0 : i32
      %dma_wait3A_83 = arith.constant 0 : i32
      %dma_wait3A_84 = tpu.memref_slice %arg3[%dma_wait3A_82, %dma_wait3A_83] : memref<1000000x64xf32, #tpu.memory_space<hbm>> -> memref<200x64xf32, #tpu.memory_space<hbm>>
      tpu.wait_dma2 semaphore(%arg14 : memref<!tpu.dma_semaphore, #tpu.memory_space<semaphore_mem>>) src(%dma_wait3A_84 : memref<200x64xf32, #tpu.memory_space<hbm>>) dst(%arg10 : memref<200x64xf32, #tpu.memory_space<vmem>>)
      %parallel_loop3A_85 = arith.constant 0 : i32
      %parallel_loop3A_86 = arith.constant 200 : i32
      %parallel_loop3A_87 = arith.constant 1 : i32
      scf.for %parallel_loop3A_149 = %parallel_loop3A_85 to %parallel_loop3A_86 step %parallel_loop3A_87  : i32 {
        %parallel_loop3A_150 = arith.index_cast %parallel_loop3A_149 : i32 to index
        %parallel_loop3A_151 = arith.constant 0 : index
        %parallel_loop3A_152 = tpu.vector_load %arg10[%parallel_loop3A_150, %parallel_loop3A_151] {strides = array<i32>} : memref<200x64xf32, #tpu.memory_space<vmem>>, vector<1x16xf32>,
        %parallel_loop3A_153 = vector.shape_cast %parallel_loop3A_152 : vector<1x16xf32> to vector<16xf32>
        %parallel_loop3A_154 = arith.constant 8.000000e+00 : f32
        %parallel_loop3A_155 = vector.broadcast %parallel_loop3A_154 : f32 to vector<16xf32>
        %parallel_loop3A_156 = arith.mulf %parallel_loop3A_153, %parallel_loop3A_155 : vector<16xf32>
        %parallel_loop3A_157 = arith.index_cast %parallel_loop3A_149 : i32 to index
        %parallel_loop3A_158 = arith.constant 0 : index
        %parallel_loop3A_159 = tpu.vector_load %arg10[%parallel_loop3A_157, %parallel_loop3A_158] {strides = array<i32>} : memref<200x64xf32, #tpu.memory_space<vmem>>, vector<1x16xf32>,
        %parallel_loop3A_160 = vector.shape_cast %parallel_loop3A_159 : vector<1x16xf32> to vector<16xf32>
        %parallel_loop3A_161 = vector.shape_cast %parallel_loop3A_156 : vector<16xf32> to vector<1x16xf32>
        tpu.vector_store %arg10[%parallel_loop3A_157, %parallel_loop3A_158], %parallel_loop3A_161 {strides = array<i32>} : memref<200x64xf32, #tpu.memory_space<vmem>>, vector<1x16xf32>,
        %parallel_loop3A_162 = arith.index_cast %parallel_loop3A_149 : i32 to index
        %parallel_loop3A_163 = arith.constant 16 : index
        %parallel_loop3A_164 = tpu.vector_load %arg10[%parallel_loop3A_162, %parallel_loop3A_163] {strides = array<i32>} : memref<200x64xf32, #tpu.memory_space<vmem>>, vector<1x16xf32>,
        %parallel_loop3A_165 = vector.shape_cast %parallel_loop3A_164 : vector<1x16xf32> to vector<16xf32>
        %parallel_loop3A_166 = arith.constant 8.000000e+00 : f32
        %parallel_loop3A_167 = vector.broadcast %parallel_loop3A_166 : f32 to vector<16xf32>
        %parallel_loop3A_168 = arith.mulf %parallel_loop3A_165, %parallel_loop3A_167 : vector<16xf32>
        %parallel_loop3A_169 = arith.index_cast %parallel_loop3A_149 : i32 to index
        %parallel_loop3A_170 = arith.constant 16 : index
        %parallel_loop3A_171 = tpu.vector_load %arg10[%parallel_loop3A_169, %parallel_loop3A_170] {strides = array<i32>} : memref<200x64xf32, #tpu.memory_space<vmem>>, vector<1x16xf32>,
        %parallel_loop3A_172 = vector.shape_cast %parallel_loop3A_171 : vector<1x16xf32> to vector<16xf32>
        %parallel_loop3A_173 = vector.shape_cast %parallel_loop3A_168 : vector<16xf32> to vector<1x16xf32>
        tpu.vector_store %arg10[%parallel_loop3A_169, %parallel_loop3A_170], %parallel_loop3A_173 {strides = array<i32>} : memref<200x64xf32, #tpu.memory_space<vmem>>, vector<1x16xf32>,
        %parallel_loop3A_174 = arith.index_cast %parallel_loop3A_149 : i32 to index
        %parallel_loop3A_175 = arith.constant 32 : index
        %parallel_loop3A_176 = tpu.vector_load %arg10[%parallel_loop3A_174, %parallel_loop3A_175] {strides = array<i32>} : memref<200x64xf32, #tpu.memory_space<vmem>>, vector<1x16xf32>,
        %parallel_loop3A_177 = vector.shape_cast %parallel_loop3A_176 : vector<1x16xf32> to vector<16xf32>
        %parallel_loop3A_178 = arith.constant 8.000000e+00 : f32
        %parallel_loop3A_179 = vector.broadcast %parallel_loop3A_178 : f32 to vector<16xf32>
        %parallel_loop3A_180 = arith.mulf %parallel_loop3A_177, %parallel_loop3A_179 : vector<16xf32>
        %parallel_loop3A_181 = arith.index_cast %parallel_loop3A_149 : i32 to index
        %parallel_loop3A_182 = arith.constant 32 : index
        %parallel_loop3A_183 = tpu.vector_load %arg10[%parallel_loop3A_181, %parallel_loop3A_182] {strides = array<i32>} : memref<200x64xf32, #tpu.memory_space<vmem>>, vector<1x16xf32>,
        %parallel_loop3A_184 = vector.shape_cast %parallel_loop3A_183 : vector<1x16xf32> to vector<16xf32>
        %parallel_loop3A_185 = vector.shape_cast %parallel_loop3A_180 : vector<16xf32> to vector<1x16xf32>
        tpu.vector_store %arg10[%parallel_loop3A_181, %parallel_loop3A_182], %parallel_loop3A_185 {strides = array<i32>} : memref<200x64xf32, #tpu.memory_space<vmem>>, vector<1x16xf32>,
        %parallel_loop3A_186 = arith.index_cast %parallel_loop3A_149 : i32 to index
        %parallel_loop3A_187 = arith.constant 48 : index
        %parallel_loop3A_188 = tpu.vector_load %arg10[%parallel_loop3A_186, %parallel_loop3A_187] {strides = array<i32>} : memref<200x64xf32, #tpu.memory_space<vmem>>, vector<1x16xf32>,
        %parallel_loop3A_189 = vector.shape_cast %parallel_loop3A_188 : vector<1x16xf32> to vector<16xf32>
        %parallel_loop3A_190 = arith.constant 8.000000e+00 : f32
        %parallel_loop3A_191 = vector.broadcast %parallel_loop3A_190 : f32 to vector<16xf32>
        %parallel_loop3A_192 = arith.mulf %parallel_loop3A_189, %parallel_loop3A_191 : vector<16xf32>
        %parallel_loop3A_193 = arith.index_cast %parallel_loop3A_149 : i32 to index
        %parallel_loop3A_194 = arith.constant 48 : index
        %parallel_loop3A_195 = tpu.vector_load %arg10[%parallel_loop3A_193, %parallel_loop3A_194] {strides = array<i32>} : memref<200x64xf32, #tpu.memory_space<vmem>>, vector<1x16xf32>,
        %parallel_loop3A_196 = vector.shape_cast %parallel_loop3A_195 : vector<1x16xf32> to vector<16xf32>
        %parallel_loop3A_197 = vector.shape_cast %parallel_loop3A_192 : vector<16xf32> to vector<1x16xf32>
        tpu.vector_store %arg10[%parallel_loop3A_193, %parallel_loop3A_194], %parallel_loop3A_197 {strides = array<i32>} : memref<200x64xf32, #tpu.memory_space<vmem>>, vector<1x16xf32>,
      } {sc.loop_unroll_factor = 8 : i64, sc.parallel_access}
      %add3A_88 = arith.addi %mul3A_2, %add3A_71 : i32
      %mul3A_89 = arith.constant 200 : i32
      %mul3A_90 = arith.muli %add3A_88, %mul3A_89 : i32
      %dma_start3A_91 = arith.constant 0 : i32
      %dma_start3A_92 = tpu.memref_slice %arg4[%mul3A_90, %dma_start3A_91] : memref<819200x128xf32, #tpu.memory_space<hbm>> -> memref<200x64xf32, #tpu.memory_space<hbm>>
      %dma_start3A_93 = arith.constant 0 : i32
      %dma_start3A_94 = tpu.memref_slice %arg4[%mul3A_90, %dma_start3A_93] : memref<819200x128xf32, #tpu.memory_space<hbm>> -> memref<200x64xf32, #tpu.memory_space<hbm>>
      tpu.enqueue_dma source(%arg10 : memref<200x64xf32, #tpu.memory_space<vmem>>) target(%dma_start3A_94 : memref<200x64xf32, #tpu.memory_space<hbm>>) target_semaphore(%arg18 : memref<!tpu.dma_semaphore, #tpu.memory_space<semaphore_mem>>)
      %mul3A_95 = arith.constant 4 : i32
      %mul3A_96 = arith.muli %scan3A_44, %mul3A_95 : i32
      %add3A_97 = arith.constant 2 : i32
      %add3A_98 = arith.addi %mul3A_96, %add3A_97 : i32
      %add3A_99 = arith.constant 2 : i32
      %add3A_100 = arith.addi %add3A_98, %add3A_99 : i32
      %lt3A_101 = arith.constant 128 : i32
      %lt3A_102 = arith.cmpi slt, %add3A_100, %lt3A_101 : i32
      %convert_element_type3A_103 = arith.extui %lt3A_102 : i1 to i32
      %cond3A_104 = arith.constant 0 : i32
      %cond3A_105 = arith.cmpi ne, %convert_element_type3A_103, %cond3A_104 : i32
      scf.if %cond3A_105 {
        %ge3A = arith.constant 2 : i32
        %ge3A_149 = arith.cmpi sge, %add3A_98, %ge3A : i32
        %convert_element_type3A_150 = arith.extui %ge3A_149 : i1 to i32
        %cond3A_151 = arith.constant 0 : i32
        %cond3A_152 = arith.cmpi ne, %convert_element_type3A_150, %cond3A_151 : i32
        scf.if %cond3A_152 {
          %mul3A_159 = arith.constant 200 : i32
          %mul3A_160 = arith.muli %mul3A_2, %mul3A_159 : i32
          %dma_wait3A_161 = arith.constant 0 : i32
          %dma_wait3A_162 = tpu.memref_slice %arg4[%mul3A_160, %dma_wait3A_161] : memref<819200x128xf32, #tpu.memory_space<hbm>> -> memref<200x64xf32, #tpu.memory_space<hbm>>
          %dma_wait3A_163 = arith.constant 0 : i32
          %dma_wait3A_164 = tpu.memref_slice %arg4[%mul3A_160, %dma_wait3A_163] : memref<819200x128xf32, #tpu.memory_space<hbm>> -> memref<200x64xf32, #tpu.memory_space<hbm>>
          tpu.wait_dma2 semaphore(%arg17 : memref<!tpu.dma_semaphore, #tpu.memory_space<semaphore_mem>>) src(%arg9 : memref<200x64xf32, #tpu.memory_space<vmem>>) dst(%dma_wait3A_164 : memref<200x64xf32, #tpu.memory_space<hbm>>)
        } else {
        }
        %add3A_153 = arith.addi %mul3A_2, %add3A_100 : i32
        %mul3A_154 = arith.constant 200 : i32
        %mul3A_155 = arith.muli %add3A_153, %mul3A_154 : i32
        "tpu.region"() ({
          %run_scoped3A = tpu.sem_alloc : memref<!tpu.dma_semaphore, #tpu.memory_space<semaphore_mem>>
          %dma_start3A_159 = tpu.memref_slice %arg2[%mul3A_155] : memref<819200xi32, #tpu.memory_space<hbm>> -> memref<200xi32, #tpu.memory_space<hbm>>
          %dma_start3A_160 = tpu.memref_slice %arg2[%mul3A_155] : memref<819200xi32, #tpu.memory_space<hbm>> -> memref<200xi32, #tpu.memory_space<hbm>>
          tpu.enqueue_dma source(%dma_start3A_160 : memref<200xi32, #tpu.memory_space<hbm>>) target(%arg5 : memref<200xi32, #tpu.memory_space<vmem>>) target_semaphore(%run_scoped3A : memref<!tpu.dma_semaphore, #tpu.memory_space<semaphore_mem>>)
          %dma_wait3A_161 = tpu.memref_slice %arg2[%mul3A_155] : memref<819200xi32, #tpu.memory_space<hbm>> -> memref<200xi32, #tpu.memory_space<hbm>>
          %dma_wait3A_162 = tpu.memref_slice %arg2[%mul3A_155] : memref<819200xi32, #tpu.memory_space<hbm>> -> memref<200xi32, #tpu.memory_space<hbm>>
          tpu.wait_dma2 semaphore(%run_scoped3A : memref<!tpu.dma_semaphore, #tpu.memory_space<semaphore_mem>>) src(%dma_wait3A_162 : memref<200xi32, #tpu.memory_space<hbm>>) dst(%arg5 : memref<200xi32, #tpu.memory_space<vmem>>)
          tpu.yield
        }) : () -> ()
        %dma_start3A_156 = arith.constant 0 : i32
        %dma_start3A_157 = arith.constant 0 : i32
        %dma_start3A_158 = tpu.memref_slice %arg3[%dma_start3A_156, %dma_start3A_157] : memref<1000000x64xf32, #tpu.memory_space<hbm>> -> memref<1000000x64xf32, #tpu.memory_space<hbm>>
        tpu.enqueue_indirect_dma source(%dma_start3A_158 : memref<1000000x64xf32, #tpu.memory_space<hbm>>) target(%arg9 : memref<200x64xf32, #tpu.memory_space<vmem>>) offsets(%arg5 : memref<200xi32, #tpu.memory_space<vmem>>) semaphore(%arg13 : memref<!tpu.dma_semaphore, #tpu.memory_space<semaphore_mem>>)
      } else {
      }
      %dma_wait3A_106 = arith.constant 0 : i32
      %dma_wait3A_107 = arith.constant 0 : i32
      %dma_wait3A_108 = tpu.memref_slice %arg3[%dma_wait3A_106, %dma_wait3A_107] : memref<1000000x64xf32, #tpu.memory_space<hbm>> -> memref<200x64xf32, #tpu.memory_space<hbm>>
      %dma_wait3A_109 = arith.constant 0 : i32
      %dma_wait3A_110 = arith.constant 0 : i32
      %dma_wait3A_111 = tpu.memref_slice %arg3[%dma_wait3A_109, %dma_wait3A_110] : memref<1000000x64xf32, #tpu.memory_space<hbm>> -> memref<200x64xf32, #tpu.memory_space<hbm>>
      tpu.wait_dma2 semaphore(%arg15 : memref<!tpu.dma_semaphore, #tpu.memory_space<semaphore_mem>>) src(%dma_wait3A_111 : memref<200x64xf32, #tpu.memory_space<hbm>>) dst(%arg11 : memref<200x64xf32, #tpu.memory_space<vmem>>)
      %parallel_loop3A_112 = arith.constant 0 : i32
      %parallel_loop3A_113 = arith.constant 200 : i32
      %parallel_loop3A_114 = arith.constant 1 : i32
      scf.for %parallel_loop3A_149 = %parallel_loop3A_112 to %parallel_loop3A_113 step %parallel_loop3A_114  : i32 {
        %parallel_loop3A_150 = arith.index_cast %parallel_loop3A_149 : i32 to index
        %parallel_loop3A_151 = arith.constant 0 : index
        %parallel_loop3A_152 = tpu.vector_load %arg11[%parallel_loop3A_150, %parallel_loop3A_151] {strides = array<i32>} : memref<200x64xf32, #tpu.memory_space<vmem>>, vector<1x16xf32>,
        %parallel_loop3A_153 = vector.shape_cast %parallel_loop3A_152 : vector<1x16xf32> to vector<16xf32>
        %parallel_loop3A_154 = arith.constant 8.000000e+00 : f32
        %parallel_loop3A_155 = vector.broadcast %parallel_loop3A_154 : f32 to vector<16xf32>
        %parallel_loop3A_156 = arith.mulf %parallel_loop3A_153, %parallel_loop3A_155 : vector<16xf32>
        %parallel_loop3A_157 = arith.index_cast %parallel_loop3A_149 : i32 to index
        %parallel_loop3A_158 = arith.constant 0 : index
        %parallel_loop3A_159 = tpu.vector_load %arg11[%parallel_loop3A_157, %parallel_loop3A_158] {strides = array<i32>} : memref<200x64xf32, #tpu.memory_space<vmem>>, vector<1x16xf32>,
        %parallel_loop3A_160 = vector.shape_cast %parallel_loop3A_159 : vector<1x16xf32> to vector<16xf32>
        %parallel_loop3A_161 = vector.shape_cast %parallel_loop3A_156 : vector<16xf32> to vector<1x16xf32>
        tpu.vector_store %arg11[%parallel_loop3A_157, %parallel_loop3A_158], %parallel_loop3A_161 {strides = array<i32>} : memref<200x64xf32, #tpu.memory_space<vmem>>, vector<1x16xf32>,
        %parallel_loop3A_162 = arith.index_cast %parallel_loop3A_149 : i32 to index
        %parallel_loop3A_163 = arith.constant 16 : index
        %parallel_loop3A_164 = tpu.vector_load %arg11[%parallel_loop3A_162, %parallel_loop3A_163] {strides = array<i32>} : memref<200x64xf32, #tpu.memory_space<vmem>>, vector<1x16xf32>,
        %parallel_loop3A_165 = vector.shape_cast %parallel_loop3A_164 : vector<1x16xf32> to vector<16xf32>
        %parallel_loop3A_166 = arith.constant 8.000000e+00 : f32
        %parallel_loop3A_167 = vector.broadcast %parallel_loop3A_166 : f32 to vector<16xf32>
        %parallel_loop3A_168 = arith.mulf %parallel_loop3A_165, %parallel_loop3A_167 : vector<16xf32>
        %parallel_loop3A_169 = arith.index_cast %parallel_loop3A_149 : i32 to index
        %parallel_loop3A_170 = arith.constant 16 : index
        %parallel_loop3A_171 = tpu.vector_load %arg11[%parallel_loop3A_169, %parallel_loop3A_170] {strides = array<i32>} : memref<200x64xf32, #tpu.memory_space<vmem>>, vector<1x16xf32>,
        %parallel_loop3A_172 = vector.shape_cast %parallel_loop3A_171 : vector<1x16xf32> to vector<16xf32>
        %parallel_loop3A_173 = vector.shape_cast %parallel_loop3A_168 : vector<16xf32> to vector<1x16xf32>
        tpu.vector_store %arg11[%parallel_loop3A_169, %parallel_loop3A_170], %parallel_loop3A_173 {strides = array<i32>} : memref<200x64xf32, #tpu.memory_space<vmem>>, vector<1x16xf32>,
        %parallel_loop3A_174 = arith.index_cast %parallel_loop3A_149 : i32 to index
        %parallel_loop3A_175 = arith.constant 32 : index
        %parallel_loop3A_176 = tpu.vector_load %arg11[%parallel_loop3A_174, %parallel_loop3A_175] {strides = array<i32>} : memref<200x64xf32, #tpu.memory_space<vmem>>, vector<1x16xf32>,
        %parallel_loop3A_177 = vector.shape_cast %parallel_loop3A_176 : vector<1x16xf32> to vector<16xf32>
        %parallel_loop3A_178 = arith.constant 8.000000e+00 : f32
        %parallel_loop3A_179 = vector.broadcast %parallel_loop3A_178 : f32 to vector<16xf32>
        %parallel_loop3A_180 = arith.mulf %parallel_loop3A_177, %parallel_loop3A_179 : vector<16xf32>
        %parallel_loop3A_181 = arith.index_cast %parallel_loop3A_149 : i32 to index
        %parallel_loop3A_182 = arith.constant 32 : index
        %parallel_loop3A_183 = tpu.vector_load %arg11[%parallel_loop3A_181, %parallel_loop3A_182] {strides = array<i32>} : memref<200x64xf32, #tpu.memory_space<vmem>>, vector<1x16xf32>,
        %parallel_loop3A_184 = vector.shape_cast %parallel_loop3A_183 : vector<1x16xf32> to vector<16xf32>
        %parallel_loop3A_185 = vector.shape_cast %parallel_loop3A_180 : vector<16xf32> to vector<1x16xf32>
        tpu.vector_store %arg11[%parallel_loop3A_181, %parallel_loop3A_182], %parallel_loop3A_185 {strides = array<i32>} : memref<200x64xf32, #tpu.memory_space<vmem>>, vector<1x16xf32>,
        %parallel_loop3A_186 = arith.index_cast %parallel_loop3A_149 : i32 to index
        %parallel_loop3A_187 = arith.constant 48 : index
        %parallel_loop3A_188 = tpu.vector_load %arg11[%parallel_loop3A_186, %parallel_loop3A_187] {strides = array<i32>} : memref<200x64xf32, #tpu.memory_space<vmem>>, vector<1x16xf32>,
        %parallel_loop3A_189 = vector.shape_cast %parallel_loop3A_188 : vector<1x16xf32> to vector<16xf32>
        %parallel_loop3A_190 = arith.constant 8.000000e+00 : f32
        %parallel_loop3A_191 = vector.broadcast %parallel_loop3A_190 : f32 to vector<16xf32>
        %parallel_loop3A_192 = arith.mulf %parallel_loop3A_189, %parallel_loop3A_191 : vector<16xf32>
        %parallel_loop3A_193 = arith.index_cast %parallel_loop3A_149 : i32 to index
        %parallel_loop3A_194 = arith.constant 48 : index
        %parallel_loop3A_195 = tpu.vector_load %arg11[%parallel_loop3A_193, %parallel_loop3A_194] {strides = array<i32>} : memref<200x64xf32, #tpu.memory_space<vmem>>, vector<1x16xf32>,
        %parallel_loop3A_196 = vector.shape_cast %parallel_loop3A_195 : vector<1x16xf32> to vector<16xf32>
        %parallel_loop3A_197 = vector.shape_cast %parallel_loop3A_192 : vector<16xf32> to vector<1x16xf32>
        tpu.vector_store %arg11[%parallel_loop3A_193, %parallel_loop3A_194], %parallel_loop3A_197 {strides = array<i32>} : memref<200x64xf32, #tpu.memory_space<vmem>>, vector<1x16xf32>,
      } {sc.loop_unroll_factor = 8 : i64, sc.parallel_access}
      %add3A_115 = arith.addi %mul3A_2, %add3A_98 : i32
      %mul3A_116 = arith.constant 200 : i32
      %mul3A_117 = arith.muli %add3A_115, %mul3A_116 : i32
      %dma_start3A_118 = arith.constant 0 : i32
      %dma_start3A_119 = tpu.memref_slice %arg4[%mul3A_117, %dma_start3A_118] : memref<819200x128xf32, #tpu.memory_space<hbm>> -> memref<200x64xf32, #tpu.memory_space<hbm>>
      %dma_start3A_120 = arith.constant 0 : i32
      %dma_start3A_121 = tpu.memref_slice %arg4[%mul3A_117, %dma_start3A_120] : memref<819200x128xf32, #tpu.memory_space<hbm>> -> memref<200x64xf32, #tpu.memory_space<hbm>>
      tpu.enqueue_dma source(%arg11 : memref<200x64xf32, #tpu.memory_space<vmem>>) target(%dma_start3A_121 : memref<200x64xf32, #tpu.memory_space<hbm>>) target_semaphore(%arg19 : memref<!tpu.dma_semaphore, #tpu.memory_space<semaphore_mem>>)
      %mul3A_122 = arith.constant 4 : i32
      %mul3A_123 = arith.muli %scan3A_44, %mul3A_122 : i32
      %add3A_124 = arith.constant 3 : i32
      %add3A_125 = arith.addi %mul3A_123, %add3A_124 : i32
      %add3A_126 = arith.constant 2 : i32
      %add3A_127 = arith.addi %add3A_125, %add3A_126 : i32
      %lt3A_128 = arith.constant 128 : i32
      %lt3A_129 = arith.cmpi slt, %add3A_127, %lt3A_128 : i32
      %convert_element_type3A_130 = arith.extui %lt3A_129 : i1 to i32
      %cond3A_131 = arith.constant 0 : i32
      %cond3A_132 = arith.cmpi ne, %convert_element_type3A_130, %cond3A_131 : i32
      scf.if %cond3A_132 {
        %ge3A = arith.constant 2 : i32
        %ge3A_149 = arith.cmpi sge, %add3A_125, %ge3A : i32
        %convert_element_type3A_150 = arith.extui %ge3A_149 : i1 to i32
        %cond3A_151 = arith.constant 0 : i32
        %cond3A_152 = arith.cmpi ne, %convert_element_type3A_150, %cond3A_151 : i32
        scf.if %cond3A_152 {
          %mul3A_159 = arith.constant 200 : i32
          %mul3A_160 = arith.muli %mul3A_2, %mul3A_159 : i32
          %dma_wait3A_161 = arith.constant 0 : i32
          %dma_wait3A_162 = tpu.memref_slice %arg4[%mul3A_160, %dma_wait3A_161] : memref<819200x128xf32, #tpu.memory_space<hbm>> -> memref<200x64xf32, #tpu.memory_space<hbm>>
          %dma_wait3A_163 = arith.constant 0 : i32
          %dma_wait3A_164 = tpu.memref_slice %arg4[%mul3A_160, %dma_wait3A_163] : memref<819200x128xf32, #tpu.memory_space<hbm>> -> memref<200x64xf32, #tpu.memory_space<hbm>>
          tpu.wait_dma2 semaphore(%arg18 : memref<!tpu.dma_semaphore, #tpu.memory_space<semaphore_mem>>) src(%arg10 : memref<200x64xf32, #tpu.memory_space<vmem>>) dst(%dma_wait3A_164 : memref<200x64xf32, #tpu.memory_space<hbm>>)
        } else {
        }
        %add3A_153 = arith.addi %mul3A_2, %add3A_127 : i32
        %mul3A_154 = arith.constant 200 : i32
        %mul3A_155 = arith.muli %add3A_153, %mul3A_154 : i32
        "tpu.region"() ({
          %run_scoped3A = tpu.sem_alloc : memref<!tpu.dma_semaphore, #tpu.memory_space<semaphore_mem>>
          %dma_start3A_159 = tpu.memref_slice %arg2[%mul3A_155] : memref<819200xi32, #tpu.memory_space<hbm>> -> memref<200xi32, #tpu.memory_space<hbm>>
          %dma_start3A_160 = tpu.memref_slice %arg2[%mul3A_155] : memref<819200xi32, #tpu.memory_space<hbm>> -> memref<200xi32, #tpu.memory_space<hbm>>
          tpu.enqueue_dma source(%dma_start3A_160 : memref<200xi32, #tpu.memory_space<hbm>>) target(%arg6 : memref<200xi32, #tpu.memory_space<vmem>>) target_semaphore(%run_scoped3A : memref<!tpu.dma_semaphore, #tpu.memory_space<semaphore_mem>>)
          %dma_wait3A_161 = tpu.memref_slice %arg2[%mul3A_155] : memref<819200xi32, #tpu.memory_space<hbm>> -> memref<200xi32, #tpu.memory_space<hbm>>
          %dma_wait3A_162 = tpu.memref_slice %arg2[%mul3A_155] : memref<819200xi32, #tpu.memory_space<hbm>> -> memref<200xi32, #tpu.memory_space<hbm>>
          tpu.wait_dma2 semaphore(%run_scoped3A : memref<!tpu.dma_semaphore, #tpu.memory_space<semaphore_mem>>) src(%dma_wait3A_162 : memref<200xi32, #tpu.memory_space<hbm>>) dst(%arg6 : memref<200xi32, #tpu.memory_space<vmem>>)
          tpu.yield
        }) : () -> ()
        %dma_start3A_156 = arith.constant 0 : i32
        %dma_start3A_157 = arith.constant 0 : i32
        %dma_start3A_158 = tpu.memref_slice %arg3[%dma_start3A_156, %dma_start3A_157] : memref<1000000x64xf32, #tpu.memory_space<hbm>> -> memref<1000000x64xf32, #tpu.memory_space<hbm>>
        tpu.enqueue_indirect_dma source(%dma_start3A_158 : memref<1000000x64xf32, #tpu.memory_space<hbm>>) target(%arg10 : memref<200x64xf32, #tpu.memory_space<vmem>>) offsets(%arg6 : memref<200xi32, #tpu.memory_space<vmem>>) semaphore(%arg14 : memref<!tpu.dma_semaphore, #tpu.memory_space<semaphore_mem>>)
      } else {
      }
      %dma_wait3A_133 = arith.constant 0 : i32
      %dma_wait3A_134 = arith.constant 0 : i32
      %dma_wait3A_135 = tpu.memref_slice %arg3[%dma_wait3A_133, %dma_wait3A_134] : memref<1000000x64xf32, #tpu.memory_space<hbm>> -> memref<200x64xf32, #tpu.memory_space<hbm>>
      %dma_wait3A_136 = arith.constant 0 : i32
      %dma_wait3A_137 = arith.constant 0 : i32
      %dma_wait3A_138 = tpu.memref_slice %arg3[%dma_wait3A_136, %dma_wait3A_137] : memref<1000000x64xf32, #tpu.memory_space<hbm>> -> memref<200x64xf32, #tpu.memory_space<hbm>>
      tpu.wait_dma2 semaphore(%arg16 : memref<!tpu.dma_semaphore, #tpu.memory_space<semaphore_mem>>) src(%dma_wait3A_138 : memref<200x64xf32, #tpu.memory_space<hbm>>) dst(%arg12 : memref<200x64xf32, #tpu.memory_space<vmem>>)
      %parallel_loop3A_139 = arith.constant 0 : i32
      %parallel_loop3A_140 = arith.constant 200 : i32
      %parallel_loop3A_141 = arith.constant 1 : i32
      scf.for %parallel_loop3A_149 = %parallel_loop3A_139 to %parallel_loop3A_140 step %parallel_loop3A_141  : i32 {
        %parallel_loop3A_150 = arith.index_cast %parallel_loop3A_149 : i32 to index
        %parallel_loop3A_151 = arith.constant 0 : index
        %parallel_loop3A_152 = tpu.vector_load %arg12[%parallel_loop3A_150, %parallel_loop3A_151] {strides = array<i32>} : memref<200x64xf32, #tpu.memory_space<vmem>>, vector<1x16xf32>,
        %parallel_loop3A_153 = vector.shape_cast %parallel_loop3A_152 : vector<1x16xf32> to vector<16xf32>
        %parallel_loop3A_154 = arith.constant 8.000000e+00 : f32
        %parallel_loop3A_155 = vector.broadcast %parallel_loop3A_154 : f32 to vector<16xf32>
        %parallel_loop3A_156 = arith.mulf %parallel_loop3A_153, %parallel_loop3A_155 : vector<16xf32>
        %parallel_loop3A_157 = arith.index_cast %parallel_loop3A_149 : i32 to index
        %parallel_loop3A_158 = arith.constant 0 : index
        %parallel_loop3A_159 = tpu.vector_load %arg12[%parallel_loop3A_157, %parallel_loop3A_158] {strides = array<i32>} : memref<200x64xf32, #tpu.memory_space<vmem>>, vector<1x16xf32>,
        %parallel_loop3A_160 = vector.shape_cast %parallel_loop3A_159 : vector<1x16xf32> to vector<16xf32>
        %parallel_loop3A_161 = vector.shape_cast %parallel_loop3A_156 : vector<16xf32> to vector<1x16xf32>
        tpu.vector_store %arg12[%parallel_loop3A_157, %parallel_loop3A_158], %parallel_loop3A_161 {strides = array<i32>} : memref<200x64xf32, #tpu.memory_space<vmem>>, vector<1x16xf32>,
        %parallel_loop3A_162 = arith.index_cast %parallel_loop3A_149 : i32 to index
        %parallel_loop3A_163 = arith.constant 16 : index
        %parallel_loop3A_164 = tpu.vector_load %arg12[%parallel_loop3A_162, %parallel_loop3A_163] {strides = array<i32>} : memref<200x64xf32, #tpu.memory_space<vmem>>, vector<1x16xf32>,
        %parallel_loop3A_165 = vector.shape_cast %parallel_loop3A_164 : vector<1x16xf32> to vector<16xf32>
        %parallel_loop3A_166 = arith.constant 8.000000e+00 : f32
        %parallel_loop3A_167 = vector.broadcast %parallel_loop3A_166 : f32 to vector<16xf32>
        %parallel_loop3A_168 = arith.mulf %parallel_loop3A_165, %parallel_loop3A_167 : vector<16xf32>
        %parallel_loop3A_169 = arith.index_cast %parallel_loop3A_149 : i32 to index
        %parallel_loop3A_170 = arith.constant 16 : index
        %parallel_loop3A_171 = tpu.vector_load %arg12[%parallel_loop3A_169, %parallel_loop3A_170] {strides = array<i32>} : memref<200x64xf32, #tpu.memory_space<vmem>>, vector<1x16xf32>,
        %parallel_loop3A_172 = vector.shape_cast %parallel_loop3A_171 : vector<1x16xf32> to vector<16xf32>
        %parallel_loop3A_173 = vector.shape_cast %parallel_loop3A_168 : vector<16xf32> to vector<1x16xf32>
        tpu.vector_store %arg12[%parallel_loop3A_169, %parallel_loop3A_170], %parallel_loop3A_173 {strides = array<i32>} : memref<200x64xf32, #tpu.memory_space<vmem>>, vector<1x16xf32>,
        %parallel_loop3A_174 = arith.index_cast %parallel_loop3A_149 : i32 to index
        %parallel_loop3A_175 = arith.constant 32 : index
        %parallel_loop3A_176 = tpu.vector_load %arg12[%parallel_loop3A_174, %parallel_loop3A_175] {strides = array<i32>} : memref<200x64xf32, #tpu.memory_space<vmem>>, vector<1x16xf32>,
        %parallel_loop3A_177 = vector.shape_cast %parallel_loop3A_176 : vector<1x16xf32> to vector<16xf32>
        %parallel_loop3A_178 = arith.constant 8.000000e+00 : f32
        %parallel_loop3A_179 = vector.broadcast %parallel_loop3A_178 : f32 to vector<16xf32>
        %parallel_loop3A_180 = arith.mulf %parallel_loop3A_177, %parallel_loop3A_179 : vector<16xf32>
        %parallel_loop3A_181 = arith.index_cast %parallel_loop3A_149 : i32 to index
        %parallel_loop3A_182 = arith.constant 32 : index
        %parallel_loop3A_183 = tpu.vector_load %arg12[%parallel_loop3A_181, %parallel_loop3A_182] {strides = array<i32>} : memref<200x64xf32, #tpu.memory_space<vmem>>, vector<1x16xf32>,
        %parallel_loop3A_184 = vector.shape_cast %parallel_loop3A_183 : vector<1x16xf32> to vector<16xf32>
        %parallel_loop3A_185 = vector.shape_cast %parallel_loop3A_180 : vector<16xf32> to vector<1x16xf32>
        tpu.vector_store %arg12[%parallel_loop3A_181, %parallel_loop3A_182], %parallel_loop3A_185 {strides = array<i32>} : memref<200x64xf32, #tpu.memory_space<vmem>>, vector<1x16xf32>,
        %parallel_loop3A_186 = arith.index_cast %parallel_loop3A_149 : i32 to index
        %parallel_loop3A_187 = arith.constant 48 : index
        %parallel_loop3A_188 = tpu.vector_load %arg12[%parallel_loop3A_186, %parallel_loop3A_187] {strides = array<i32>} : memref<200x64xf32, #tpu.memory_space<vmem>>, vector<1x16xf32>,
        %parallel_loop3A_189 = vector.shape_cast %parallel_loop3A_188 : vector<1x16xf32> to vector<16xf32>
        %parallel_loop3A_190 = arith.constant 8.000000e+00 : f32
        %parallel_loop3A_191 = vector.broadcast %parallel_loop3A_190 : f32 to vector<16xf32>
        %parallel_loop3A_192 = arith.mulf %parallel_loop3A_189, %parallel_loop3A_191 : vector<16xf32>
        %parallel_loop3A_193 = arith.index_cast %parallel_loop3A_149 : i32 to index
        %parallel_loop3A_194 = arith.constant 48 : index
        %parallel_loop3A_195 = tpu.vector_load %arg12[%parallel_loop3A_193, %parallel_loop3A_194] {strides = array<i32>} : memref<200x64xf32, #tpu.memory_space<vmem>>, vector<1x16xf32>,
        %parallel_loop3A_196 = vector.shape_cast %parallel_loop3A_195 : vector<1x16xf32> to vector<16xf32>
        %parallel_loop3A_197 = vector.shape_cast %parallel_loop3A_192 : vector<16xf32> to vector<1x16xf32>
        tpu.vector_store %arg12[%parallel_loop3A_193, %parallel_loop3A_194], %parallel_loop3A_197 {strides = array<i32>} : memref<200x64xf32, #tpu.memory_space<vmem>>, vector<1x16xf32>,
      } {sc.loop_unroll_factor = 8 : i64, sc.parallel_access}
      %add3A_142 = arith.addi %mul3A_2, %add3A_125 : i32
      %mul3A_143 = arith.constant 200 : i32
      %mul3A_144 = arith.muli %add3A_142, %mul3A_143 : i32
      %dma_start3A_145 = arith.constant 0 : i32
      %dma_start3A_146 = tpu.memref_slice %arg4[%mul3A_144, %dma_start3A_145] : memref<819200x128xf32, #tpu.memory_space<hbm>> -> memref<200x64xf32, #tpu.memory_space<hbm>>
      %dma_start3A_147 = arith.constant 0 : i32
      %dma_start3A_148 = tpu.memref_slice %arg4[%mul3A_144, %dma_start3A_147] : memref<819200x128xf32, #tpu.memory_space<hbm>> -> memref<200x64xf32, #tpu.memory_space<hbm>>
      tpu.enqueue_dma source(%arg12 : memref<200x64xf32, #tpu.memory_space<vmem>>) target(%dma_start3A_148 : memref<200x64xf32, #tpu.memory_space<hbm>>) target_semaphore(%arg20 : memref<!tpu.dma_semaphore, #tpu.memory_space<semaphore_mem>>)
    }
    %scan3A_20 = arith.constant 32 : i32
    %mul3A_21 = arith.constant 200 : i32
    %mul3A_22 = arith.muli %mul3A_2, %mul3A_21 : i32
    %dma_wait3A = arith.constant 0 : i32
    %dma_wait3A_23 = tpu.memref_slice %arg4[%mul3A_22, %dma_wait3A] : memref<819200x128xf32, #tpu.memory_space<hbm>> -> memref<200x64xf32, #tpu.memory_space<hbm>>
    %dma_wait3A_24 = arith.constant 0 : i32
    %dma_wait3A_25 = tpu.memref_slice %arg4[%mul3A_22, %dma_wait3A_24] : memref<819200x128xf32, #tpu.memory_space<hbm>> -> memref<200x64xf32, #tpu.memory_space<hbm>>
    tpu.wait_dma2 semaphore(%arg17 : memref<!tpu.dma_semaphore, #tpu.memory_space<semaphore_mem>>) src(%arg9 : memref<200x64xf32, #tpu.memory_space<vmem>>) dst(%dma_wait3A_25 : memref<200x64xf32, #tpu.memory_space<hbm>>)
    %mul3A_26 = arith.constant 200 : i32
    %mul3A_27 = arith.muli %mul3A_2, %mul3A_26 : i32
    %dma_wait3A_28 = arith.constant 0 : i32
    %dma_wait3A_29 = tpu.memref_slice %arg4[%mul3A_27, %dma_wait3A_28] : memref<819200x128xf32, #tpu.memory_space<hbm>> -> memref<200x64xf32, #tpu.memory_space<hbm>>
    %dma_wait3A_30 = arith.constant 0 : i32
    %dma_wait3A_31 = tpu.memref_slice %arg4[%mul3A_27, %dma_wait3A_30] : memref<819200x128xf32, #tpu.memory_space<hbm>> -> memref<200x64xf32, #tpu.memory_space<hbm>>
    tpu.wait_dma2 semaphore(%arg18 : memref<!tpu.dma_semaphore, #tpu.memory_space<semaphore_mem>>) src(%arg10 : memref<200x64xf32, #tpu.memory_space<vmem>>) dst(%dma_wait3A_31 : memref<200x64xf32, #tpu.memory_space<hbm>>)
    %mul3A_32 = arith.constant 200 : i32
    %mul3A_33 = arith.muli %mul3A_2, %mul3A_32 : i32
    %dma_wait3A_34 = arith.constant 0 : i32
    %dma_wait3A_35 = tpu.memref_slice %arg4[%mul3A_33, %dma_wait3A_34] : memref<819200x128xf32, #tpu.memory_space<hbm>> -> memref<200x64xf32, #tpu.memory_space<hbm>>
    %dma_wait3A_36 = arith.constant 0 : i32
    %dma_wait3A_37 = tpu.memref_slice %arg4[%mul3A_33, %dma_wait3A_36] : memref<819200x128xf32, #tpu.memory_space<hbm>> -> memref<200x64xf32, #tpu.memory_space<hbm>>
    tpu.wait_dma2 semaphore(%arg19 : memref<!tpu.dma_semaphore, #tpu.memory_space<semaphore_mem>>) src(%arg11 : memref<200x64xf32, #tpu.memory_space<vmem>>) dst(%dma_wait3A_37 : memref<200x64xf32, #tpu.memory_space<hbm>>)
    %mul3A_38 = arith.constant 200 : i32
    %mul3A_39 = arith.muli %mul3A_2, %mul3A_38 : i32
    %dma_wait3A_40 = arith.constant 0 : i32
    %dma_wait3A_41 = tpu.memref_slice %arg4[%mul3A_39, %dma_wait3A_40] : memref<819200x128xf32, #tpu.memory_space<hbm>> -> memref<200x64xf32, #tpu.memory_space<hbm>>
    %dma_wait3A_42 = arith.constant 0 : i32
    %dma_wait3A_43 = tpu.memref_slice %arg4[%mul3A_39, %dma_wait3A_42] : memref<819200x128xf32, #tpu.memory_space<hbm>> -> memref<200x64xf32, #tpu.memory_space<hbm>>
    tpu.wait_dma2 semaphore(%arg20 : memref<!tpu.dma_semaphore, #tpu.memory_space<semaphore_mem>>) src(%arg12 : memref<200x64xf32, #tpu.memory_space<vmem>>) dst(%dma_wait3A_43 : memref<200x64xf32, #tpu.memory_space<hbm>>)
    return
  }
}

</mosaic_0001>

<sc_bundles>
// kernel: kernel.3.cloned.1.call-start
scs
__scs_entry_jumppad:
0x0: {  	(pc) =	sbr.rel $0x88, $3  }
0x1: {  	(tag) =	ssettag $0x0;
	lr =	simm.s32 $0x1  }
0x2: {  	[smem:$0x3F9F] =	sst lr;
	_ =	strace $0xD0000000  }
0x3: {  	_ = 	snop  }
0x4: {  	_ = 	snop  }
0x5: {  	_ = 	snop  }
0x6: {  	_ = 	snop  }
0x7: {  	_ = 	snop  }
__scs_overlays_trampoline_lowered:
0x8: {  	[smem:$0x3FAE] =	sst s0  }
0x9: {  	[smem:$0x3FAF] =	sst s1  }
0xa: {  	[smem:$0x3FB0] =	sst s2  }
0xb: {  	[smem:$0x3FB1] =	sst s3  }
0xc: {  	[smem:$0x3FB2] =	sst s4  }
0xd: {  	[smem:$0x3FB3] =	sst s5  }
0xe: {  	[smem:$0x3FB4] =	sst s6  }
0xf: {  	[smem:$0x3FB5] =	sst s7  }
0x10: {  	[smem:$0x3FB6] =	sst s8  }
0x11: {  	[smem:$0x3FB7] =	sst s9;
	s0 =	simm.s32 @!p0 $0x0  }
0x12: {  	s1 =	sld [smem:$0x3F9D];
	s0 =	simm.s32 @p0 $0x1  }
0x13: {  	[smem:$0x3FB8] =	sst s0;
	s0 =	simm.s32 @!p1 $0x0  }
0x14: {  	s2 =	sld [smem:$0x3F9C];
	s0 =	simm.s32 @p1 $0x1  }
0x15: {  	[smem:$0x3FB9] =	sst s0;
	s0 =	simm.s32 @!p2 $0x0  }
0x16: {  	s3 =	sld [smem:$0x3FDB];
	s0 =	simm.s32 @p2 $0x1  }
0x17: {  	s4 =	simm.s32 $0x1BF5;
	[smem:$0x3FBB] =	sst s0  }
0x18: {  	s0 =	sld [smem:$0x3F9E];
	_ =	swait.ge [sflag:s4], $0x0  }
0x19: {  	s7 =	sld [smem:$0x3F9F]  }
0x1a: {  	s8 =	sadd.s32 $0xFFFFE003, lr  }
0x1b: {  	s9 =	sadd.s32 $0xFFFFFEF7, lr;
	s5 =	simm.s32 $0xFFFFFFFF;
	p2 =	slt.u32 s8, $0xFFFFF086  }
0x1c: {  	p1 =	slt.u32 s9, $0xF7A;
	s5 =	simm.s32 @!p2 $0x0  }
0x1d: {  	s5 =	simm.s32 @p1 $0x1;
	p0 =	seq.s32 s7, s2  }
0x1e: {  	s7 =	smul.u32 @!p0 $0xF7A, s2;
	p2 =	seq.s32 @!p0 s5, $0x0  }
0x1f: {  	s9 =	smul.u32 $0xF7A, s1;
	s8 =	simm.s32 @!p0 $0x1BF5;
	p2 =	por !p2, p0  }
0x20: {  	[sflag:s8] =	ssyncset.s32 @!p0 $0xFFFFF086;
	s6 =	sadd.s32 @!p0 s3, s7;
	s7 =	simm.s32 @!p0 $0x108  }
0x21: {  	s3 =	sadd.s32 s3, s9;
	s6 =	sadd.s32 @!p0 $0x88, s6;
	s7 =	simm.s32 @p2 $0x1082  }
0x22: {  	[simem:s7], [sflag:s8] =	dma.local @!p0 [hbm:s6], $0xF7A  }
0x23: {  	s9 =	sor.u32 $0xD0000000, s2;
	s6 =	simm.s32 $0x108;
	_ =	swait.ge @!p0 [sflag:s8], $0x0  }
0x24: {  	s3 =	sadd.s32 $0x88, s3;
	s6 =	simm.s32 @!p1 $0x1082;
	[sflag:s4] =	ssyncset.s32 $0xFFFFF086  }
0x25: {  	[simem:s6], [sflag:s4] =	dma.local [hbm:s3], $0xF7A  }
0x26: {  	[smem:$0x3F9F] =	sst s1;
	(tag) =	ssettag s2;
	_ =	strace s9  }
0x27: {  	s1 =	sld [smem:$0x3FAF]  }
0x28: {  	s2 =	sld [smem:$0x3FB0]  }
0x29: {  	s4 =	sld [smem:$0x3FB2]  }
0x2a: {  	p0 =	seq.s32 s5, $0x0;
	s5 =	sld [smem:$0x3FB3]  }
0x2b: {  	s6 =	sld [smem:$0x3FB4]  }
0x2c: {  	s7 =	sld [smem:$0x3FB5]  }
0x2d: {  	s3 =	simm.s32 $0x108;
	s8 =	sld [smem:$0x3FB6]  }
0x2e: {  	s3 =	simm.s32 @!p0 $0x1082;
	s9 =	sld [smem:$0x3FB7]  }
0x2f: {  	lr =	sadd.s32 s0, s3;
	s0 =	sld [smem:$0x3FAE]  }
0x30: {  	s3 =	sld [smem:$0x3FB1]  }
0x31: {  	[smem:$0x3FBA] =	sst s10  }
0x32: {  	s10 =	sld [smem:$0x3FB8];
	_ =	sdelay $0x3  }
0x33: {  	p0 =	seq.s32 s10, $0x1;
	s10 =	sld [smem:$0x3FBA];
	_ =	sdelay $0x3  }
0x34: {  	[smem:$0x3FBA] =	sst s10  }
0x35: {  	s10 =	sld [smem:$0x3FB9];
	_ =	sdelay $0x3  }
0x36: {  	p1 =	seq.s32 s10, $0x1;
	s10 =	sld [smem:$0x3FBA];
	_ =	sdelay $0x3  }
0x37: {  	[smem:$0x3FBA] =	sst s10  }
0x38: {  	s10 =	sld [smem:$0x3FBB]  }
0x39: {  	_ = 	snop;
	(pc) =	sbr.ind lr, $3  }
0x3a: {  	_ = 	snop  }
0x3b: {  	_ = 	snop  }
0x3c: {  	p2 =	seq.s32 s10, $0x1;
	s10 =	sld [smem:$0x3FBA]  }
0x3d: {  	_ =	shalt  }
0x3e: {  	_ =	shalt  }
0x3f: {  	_ =	shalt  }
0x40: {  	_ =	shalt  }
0x41: {  	_ =	shalt  }
0x42: {  	_ =	shalt  }
0x43: {  	_ =	shalt  }
0x44: {  	_ =	shalt  }
0x45: {  	_ =	shalt  }
0x46: {  	_ =	shalt  }
0x47: {  	_ =	shalt  }
0x48: {  	_ =	shalt  }
0x49: {  	_ =	shalt  }
0x4a: {  	_ =	shalt  }
0x4b: {  	_ =	shalt  }
0x4c: {  	_ =	shalt  }
0x4d: {  	_ =	shalt  }
0x4e: {  	_ =	shalt  }
0x4f: {  	_ =	shalt  }
0x50: {  	_ =	shalt  }
0x51: {  	_ =	shalt  }
0x52: {  	_ =	shalt  }
0x53: {  	_ =	shalt  }
0x54: {  	_ =	shalt  }
0x55: {  	_ =	shalt  }
0x56: {  	_ =	shalt  }
0x57: {  	_ =	shalt  }
0x58: {  	_ =	shalt  }
0x59: {  	_ =	shalt  }
0x5a: {  	_ =	shalt  }
0x5b: {  	_ =	shalt  }
0x5c: {  	_ =	shalt  }
0x5d: {  	_ =	shalt  }
0x5e: {  	_ =	shalt  }
0x5f: {  	_ =	shalt  }
0x60: {  	_ =	shalt  }
0x61: {  	_ =	shalt  }
0x62: {  	_ =	shalt  }
0x63: {  	_ =	shalt  }
0x64: {  	_ =	shalt  }
0x65: {  	_ =	shalt  }
0x66: {  	_ =	shalt  }
0x67: {  	_ =	shalt  }
0x68: {  	_ =	shalt  }
0x69: {  	_ =	shalt  }
0x6a: {  	_ =	shalt  }
0x6b: {  	_ =	shalt  }
0x6c: {  	_ =	shalt  }
0x6d: {  	_ =	shalt  }
0x6e: {  	_ =	shalt  }
0x6f: {  	_ =	shalt  }
0x70: {  	_ =	shalt  }
0x71: {  	_ =	shalt  }
0x72: {  	_ =	shalt  }
0x73: {  	_ =	shalt  }
0x74: {  	_ =	shalt  }
0x75: {  	_ =	shalt  }
0x76: {  	_ =	shalt  }
0x77: {  	_ =	shalt  }
0x78: {  	_ =	shalt  }
0x79: {  	_ =	shalt  }
0x7a: {  	_ =	shalt  }
0x7b: {  	_ =	shalt  }
0x7c: {  	_ =	shalt  }
0x7d: {  	_ =	shalt  }
0x7e: {  	_ =	shalt  }
0x7f: {  	_ =	shalt  }
0x80: {  	_ =	shalt  }
0x81: {  	_ =	shalt  }
0x82: {  	_ =	shalt  }
0x83: {  	_ =	shalt  }
0x84: {  	_ =	shalt  }
0x85: {  	_ =	shalt  }
0x86: {  	_ =	shalt  }
0x87: {  	_ =	shalt  }
.Lfunc_end0:
.L_simem_size_0:
called_computation.1_lowered:
.L_overlay_start_0:
0x88: {  	s2 =	sld [smem:$0x3FD9]  }
0x89: {  	s3 =	sld [smem:$0x3FFE];
	_ =	sdelay $0x1  }
0x8a: {  	s1 =	srdreg.scid  }
0x8b: {  	s0 =	sand.u32 $0x1, s1  }
0x8c: {  	s17 =	sshll.u32 s0, $0xA;
	s2 =	sadd.s32 s3, s2  }
0x8d: {  	s2 =	sadd.s32 s2, s17  }
0x8e: {  	[smem:$0x3FC6] =	sst s2  }
0x8f: {  	_ = 	snop  }
0x90: {  	s2 =	sld [smem:$0x3FD0];
	(tm) =	ssettm $0x1  }
0x91: {  	s18 =	sld [smem:$0x3FFB];
	_ =	sdelay $0x3  }
0x92: {  	_ =	strace s18  }
0x93: {  	s3 =	sld [smem:$0x3FFC];
	_ =	sdelay $0x3  }
0x94: {  	_ =	strace s3  }
0x95: {  	s3 =	sld [smem:$0x3FFD];
	_ =	sdelay $0x3  }
0x96: {  	_ =	strace s3  }
0x97: {  	_ =	strace $0x8FFFFFFF  }
0x98: {  	s19 =	sld [smem:$0x3FDB];
	_ =	sdelay $0x1  }
0x99: {  	s4 =	simm.s32 $_scs_section_size  }
0x9a: {  	s5 =	simm.s32 $_size__tile_overlayer_lowered;
	s6 =	simm.s32 $_tile_overlayer_lowered  }
0x9b: {  	s22 =	simm.s32 $0x1BFF;
	s21 =	sshll.u32 s6, $0x1;
	s3 =	sadd.s32 s4, s19  }
0x9c: {  	s7 =	simm.s32 $0x0;
	s20 =	sshll.u32 s5, $0x1;
	s5 =	sadd.s32 s21, s3  }
0x9d: {  	[timem:s7], [sflag:s22] =	dma.local [hbm:s5], s20  }
0x9e: {  	_ =	swait.ge [sflag:s22], s20  }
0x9f: {  	s4 =	ssub.s32 $0x0, s20;
	[sflag:s22] =	ssyncset.done $0x0  }
0xa0: {  	[sflag:s22] =	ssyncadd.s32 s4;
	_ =	sdelay $0x1  }
0xa1: {  	s23 =	simm.s32 $0x1B8B  }
0xa2: {  	_ =	swait.ge [sflag:s23], $0x1  }
0xa3: {  	[sflag:s23] =	ssyncset.done $0x0  }
0xa4: {  	s25 =	simm.s32 $0x1B8E;
	s24 =	sld [smem:$0x3FFE];
	[sflag:s23] =	ssyncadd.s32 $0xFFFFFFFF  }
0xa5: {  	s26 =	simm.s32 $execute0_lowered;
	[smem:$0x3FD2] =	sst s25  }
0xa6: {  	s5 =	sshll.u32 s26, $0x1;
	_ =	strace $0x80000046;
	[dreg:$0x1] =	wrdreg $0xFFFFFFFF  }
0xa7: {  	s28 =	simm.s32 $_size_execute0_lowered;
	s3 =	sadd.s32 s3, s5;
	[dreg:$0x0] =	wrdreg $0x0  }
0xa8: {  	s5 =	sshll.u32 s28, $0x1;
	[dreg:$0x2] =	wrdreg s3  }
0xa9: {  	[dreg:$0x3] =	wrdreg s5  }
0xaa: {  	[dreg:$0x4] =	wrdreg $0xC0  }
0xab: {  	_ =	task [dreg:s7], $0x5FFFF  }
0xac: {  	[dreg:$0x1] =	wrdreg $0xFFFFFFFF  }
0xad: {  	[dreg:$0x0] =	wrdreg $0x60  }
0xae: {  	[dreg:$0x2] =	wrdreg s2  }
0xaf: {  	[dreg:$0x3] =	wrdreg s24  }
0xb0: {  	[dreg:$0x4] =	wrdreg $0x9  }
0xb1: {  	_ =	task.clear_ibuf [dreg:s7], $0x5FFFF;
	_ =	strace $0x90000046  }
0xb2: {  	s29 =	simm.s32 $0x9;
	_ =	strace $0x80000048  }
0xb3: {  	_ =	swait.ge [sflag:s29], $0x1  }
0xb4: {  	[sflag:s29] =	ssyncadd.s32 $0xFFFFFFFF  }
0xb5: {  	_ =	strace $0x90000048  }
0xb6: {  	_ =	sfence  }
0xb7: {  	s30 =	sld [smem:$0x0];
	_ =	sdelay $0x2  }
0xb8: {  	s31 =	sshll.u32 s1, $0xD;
	s1 =	sshrl.u32 s1, $0x2  }
0xb9: {  	s3 =	sand.u32 $0x4000, s31;
	s1 =	sadd.s32 s1, s30  }
0xba: {  	s0 =	sor.u32 s3, s0;
	s1 =	sshll.u32 s1, $0x11  }
0xbb: {  	s0 =	sor.u32 s1, s0  }
0xbc: {  	s0 =	sadd.s32 $0x8F2B, s0  }
0xbd: {  	[sflag:s0] =	ssyncadd.remote.s32 $0x1  }
0xbe: {  	_ =	sfence.sel $0xFFFF  }
0xbf: {  	[dreg:$0x0] =	wrdreg $0xFFFFFFFF;
	(pc) =	sbr.abs _section_cstart, $3  }
0xc0: {  	[dreg:$0x1] =	wrdreg $0xFFFFFFFF  }
0xc1: {  	_ =	task.clear_ibuf [dreg:s7], $0x2FFFF;
	_ =	strace $0x9FFFFFFF  }
0xc2: {  	(tm) =	ssettm $0x7FFFFFFF  }
0xc3: {  	_ =	shalt  }
tec
execute0_lowered:
.L_overlay_start_1:
0x0: {  	(tag) =	ssettag $0x1  }
0x1: {  	s2 =	rddreg [dreg:$0x0]  }
0x2: {  	s0 =	rddreg [dreg:$0x1]  }
0x3: {  	s1 =	srdreg.scid;
	s4 =	stileid.u32;
	s3 =	simm.s32 $0x0  }
0x4: {  	s12 =	simm.s32 $0x9;
	s13 =	simm.s32 $0xC8;
	s14 =	simm.s32 $0x320  }
0x5: {  	s15 =	simm.s32 $0x3520;
	s16 =	simm.s32 $0x190;
	s17 =	simm.s32 $0x6720  }
0x6: {  	s18 =	simm.s32 $0x1;
	s19 =	simm.s32 $0x40;
	s20 =	simm.s32 $0x80  }
0x7: {  	s21 =	simm.s32 $0x258;
	s22 =	simm.s32 $0x9920;
	s23 =	simm.s32 $0x2  }
0x8: {  	s24 =	simm.s32 $0x3;
	s1 =	sand.u32 $0x1, s1;
	s4 =	sshll.u32 s4, $0x1  }
0x9: {  	s25 =	simm.s32 $0x4;
	s30 =	simm.s32 $0x8;
	s6 =	sor.u32 s1, s4  }
0xa: {  	s31 =	simm.s32 $0x0;
	s28 =	ssub.s32 $0x2, s1;
	s7 =	smul.u32 $0xC80, s6  }
0xb: {  	[smem:$0x7FF] =	sst s3;
	s5 =	sadd.s32 $0xA00, s0;
	s1 =	sshrl.u32 s28, $0x1  }
0xc: {  	s4 =	sadd.s32 $0xF42E00, s0;
	s0 =	ssub.s32 s28, s1;
	s7 =	sadd.s32 s2, s7  }
0xd: {  	_ =	strace $0x80000047;
	s0 =	smax.u32 s0, $0x1;
	[dreg:$0x3] =	wrdreg s7  }
0xe: {  	s6 =	sshll.u32 s6, $0x7;
	s29 =	sadd.s32 $0x19, s7;
	[dreg:$0x5] =	wrdreg s0  }
0xf: {  	s9 =	sor.u32 $0x4, s6;
	s10 =	sor.u32 $0x5, s6;
	[dreg:$0x4] =	wrdreg s29  }
.LBB2_1:
0x10: {  	s0 =	rddreg [dreg:$0x3]  }
0x11: {  	[tilespmem:s3], [sflag:$0x9] =	stream.linear.gather [hbm4b:s0+s3], $0xC8, $0x38;
	[tilespmem:$0xCB20] =	vst v63  }
0x12: {  	_ =	swait.ge [sflag:s12], $0xC8  }
0x13: {  	[sflag:s12] =	ssyncset.done $0x0  }
0x14: {  	[sflag:s12] =	ssyncadd.s32 $0xFFFFFF38  }
0x15: {  	[tilespmem:s14], [sflag:$0x1] =	stream.indirect.gather [hbm4b:s4+s13], $0x40, s3, s13, $0xb8;
	[tilespmem:$0xCB20] =	vst v63  }
0x16: {  	s29 =	rddreg [dreg:$0x4]  }
0x17: {  	[tilespmem:s13], [sflag:$0x9] =	stream.linear.gather [hbm4b:s29+s3], $0xC8, $0x38;
	[tilespmem:$0xCB20] =	vst v63  }
0x18: {  	_ =	swait.ge [sflag:s12], $0xC8  }
0x19: {  	[sflag:s12] =	ssyncset.done $0x0  }
0x1a: {  	s0 =	simm.s32 $0x0;
	[sflag:s12] =	ssyncadd.s32 $0xFFFFFF38  }
0x1b: {  	[tilespmem:s15], [sflag:$0x2] =	stream.indirect.gather [hbm4b:s4+s13], $0x40, s13, s13, $0xb8;
	[tilespmem:$0xCB20] =	vst v63  }
.LBB2_2:
0x1c: {  	s1 =	sshll.u32 s0, $0x2  }
0x1d: {  	p0 =	seq.s32 s0, $0x0;
	s8 =	sor.u32 s1, s6  }
0x1e: {  	s7 =	simm.s32 @!p0 $0x7;
	s11 =	sor.u32 $0x2, s8  }
0x1f: {  	_ =	swait.ge @!p0 [sflag:s7], $0x3200;
	s26 =	smul.u32 $0x19, s11  }
0x20: {  	[sflag:s7] =	ssyncset.done @!p0 $0x0  }
0x21: {  	[sflag:s7] =	ssyncadd.s32 @!p0 $0xFFFFCE00;
	s29 =	sadd.s32 s2, s26  }
0x22: {  	[tilespmem:s16], [sflag:$0x9] =	stream.linear.gather [hbm4b:s29+s3], $0xC8, $0x38;
	[tilespmem:$0xCB20] =	vst v63  }
0x23: {  	_ =	swait.ge [sflag:s12], $0xC8  }
0x24: {  	[sflag:s12] =	ssyncset.done $0x0  }
0x25: {  	[sflag:s12] =	ssyncadd.s32 $0xFFFFFF38  }
0x26: {  	[tilespmem:s17], [sflag:$0x3] =	stream.indirect.gather [hbm4b:s4+s13], $0x40, s16, s13, $0xb8;
	[tilespmem:$0xCB20] =	vst v63  }
0x27: {  	_ =	swait.ge [sflag:s18], $0x3200  }
0x28: {  	[sflag:s18] =	ssyncset.done $0x0  }
0x29: {  	s7 =	simm.s32 $0x420;
	[sflag:s18] =	ssyncadd.s32 $0xFFFFCE00  }
0x2a: {  	v0 =	vld [tilespmem:s7+$0xF0]  }
0x2b: {  	v1 =	vld [tilespmem:s7+$0xFFFFFF10]  }
0x2c: {  	v2 =	vld [tilespmem:s7+$0xFFFFFF20]  }
0x2d: {  	v3 =	vld [tilespmem:s7+$0xFFFFFF30]  }
0x2e: {  	v4 =	vld [tilespmem:s7+$0xFFFFFF40]  }
0x2f: {  	v5 =	vld [tilespmem:s7+$0xFFFFFF50];
	v0 =	vmul.f32 $8.000000000e+00, v0  }
0x30: {  	v6 =	vld [tilespmem:s7+$0xFFFFFF60];
	v1 =	vmul.f32 $8.000000000e+00, v1  }
0x31: {  	v7 =	vld [tilespmem:s7+$0xFFFFFF70];
	v2 =	vmul.f32 $8.000000000e+00, v2;
	[tilespmem:s7+$0xF0] =	vst v0  }
0x32: {  	[tilespmem:s7+$0xFFFFFF10] =	vst v1;
	v0 =	vmul.f32 $8.000000000e+00, v3;
	v1 =	vld [tilespmem:s7+$0xFFFFFF80]  }
0x33: {  	[tilespmem:s7+$0xFFFFFF20] =	vst v2;
	v2 =	vmul.f32 $8.000000000e+00, v4;
	v3 =	vld [tilespmem:s7+$0xFFFFFF90]  }
0x34: {  	v4 =	vld [tilespmem:s7+$0xFFFFFFA0];
	[tilespmem:s7+$0xFFFFFF30] =	vst v0;
	v0 =	vmul.f32 $8.000000000e+00, v5  }
0x35: {  	[tilespmem:s7+$0xFFFFFF40] =	vst v2;
	v2 =	vmul.f32 $8.000000000e+00, v6;
	v5 =	vld [tilespmem:s7+$0xFFFFFFB0]  }
0x36: {  	v6 =	vld [tilespmem:s7+$0xFFFFFFC0];
	[tilespmem:s7+$0xFFFFFF50] =	vst v0;
	v0 =	vmul.f32 $8.000000000e+00, v7  }
0x37: {  	[tilespmem:s7+$0xFFFFFF60] =	vst v2;
	v2 =	vld [tilespmem:s7+$0xFFFFFFD0];
	v1 =	vmul.f32 $8.000000000e+00, v1  }
0x38: {  	[tilespmem:s7+$0xFFFFFF70] =	vst v0;
	v0 =	vmul.f32 $8.000000000e+00, v3;
	v3 =	vld [tilespmem:s7+$0xFFFFFFE0]  }
0x39: {  	[tilespmem:s7+$0xFFFFFF80] =	vst v1;
	v1 =	vmul.f32 $8.000000000e+00, v4;
	v4 =	vld [tilespmem:s7+$0xFFFFFFF0]  }
0x3a: {  	[tilespmem:s7+$0xFFFFFF90] =	vst v0;
	v0 =	vmul.f32 $8.000000000e+00, v5;
	v5 =	vld [tilespmem:s7+$0x0]  }
0x3b: {  	[tilespmem:s7+$0xFFFFFFA0] =	vst v1;
	v1 =	vmul.f32 $8.000000000e+00, v6;
	v6 =	vld [tilespmem:s7+$0x10]  }
0x3c: {  	[tilespmem:s7+$0xFFFFFFB0] =	vst v0;
	v0 =	vmul.f32 $8.000000000e+00, v2;
	v2 =	vld [tilespmem:s7+$0x20]  }
0x3d: {  	[tilespmem:s7+$0xFFFFFFC0] =	vst v1;
	v1 =	vmul.f32 $8.000000000e+00, v3;
	v3 =	vld [tilespmem:s7+$0x30]  }
0x3e: {  	[tilespmem:s7+$0xFFFFFFD0] =	vst v0;
	v0 =	vmul.f32 $8.000000000e+00, v4;
	v4 =	vld [tilespmem:s7+$0x40]  }
0x3f: {  	[tilespmem:s7+$0xFFFFFFE0] =	vst v1;
	v1 =	vmul.f32 $8.000000000e+00, v5;
	v5 =	vld [tilespmem:s7+$0x50]  }
0x40: {  	[tilespmem:s7+$0xFFFFFFF0] =	vst v0;
	v0 =	vmul.f32 $8.000000000e+00, v6;
	v6 =	vld [tilespmem:s7+$0x60]  }
0x41: {  	[tilespmem:s7+$0x0] =	vst v1;
	v1 =	vmul.f32 $8.000000000e+00, v2;
	v2 =	vld [tilespmem:s7+$0x70]  }
0x42: {  	[tilespmem:s7+$0x10] =	vst v0;
	v0 =	vmul.f32 $8.000000000e+00, v3;
	v3 =	vld [tilespmem:s7+$0x80]  }
0x43: {  	[tilespmem:s7+$0x20] =	vst v1;
	v1 =	vmul.f32 $8.000000000e+00, v4;
	v4 =	vld [tilespmem:s7+$0x90]  }
0x44: {  	v7 =	vld [tilespmem:s7+$0xA0];
	[tilespmem:s7+$0x30] =	vst v0;
	v5 =	vmul.f32 $8.000000000e+00, v5  }
0x45: {  	v0 =	vld [tilespmem:s7+$0xB0];
	[tilespmem:s7+$0x40] =	vst v1;
	v6 =	vmul.f32 $8.000000000e+00, v6  }
0x46: {  	v1 =	vld [tilespmem:s7+$0xC0];
	[tilespmem:s7+$0x50] =	vst v5;
	v5 =	vmul.f32 $8.000000000e+00, v2  }
0x47: {  	v2 =	vld [tilespmem:s7+$0xD0];
	[tilespmem:s7+$0x60] =	vst v6;
	v6 =	vmul.f32 $8.000000000e+00, v3  }
0x48: {  	v3 =	vld [tilespmem:s7+$0xE0];
	[tilespmem:s7+$0x70] =	vst v5;
	v5 =	vmul.f32 $8.000000000e+00, v4  }
0x49: {  	s28 =	simm.s32 $0x620;
	s26 =	simm.s32 $0x0;
	v4 =	vld [tilespmem:s7+$0xFFFFFF00];
	[tilespmem:s7+$0x80] =	vst v6;
	v6 =	vmul.f32 $8.000000000e+00, v7  }
.LBB2_3:
0x4a: {  	v7 =	vld [tilespmem:s28+$0xF0];
	s26 =	sadd.s32 $0x8, s26;
	[tilespmem:s7+$0x90] =	vst v5;
	v0 =	vmul.f32 $8.000000000e+00, v0  }
0x4b: {  	v5 =	vld [tilespmem:s28+$0xFFFFFF10];
	p1 =	slt.u32 s26, $0xC0;
	[tilespmem:s7+$0xA0] =	vst v6;
	v1 =	vmul.f32 $8.000000000e+00, v1  }
0x4c: {  	v6 =	vld [tilespmem:s28+$0xFFFFFF20];
	[tilespmem:s7+$0xB0] =	vst v0;
	v0 =	vmul.f32 $8.000000000e+00, v2  }
0x4d: {  	v2 =	vld [tilespmem:s28+$0xFFFFFF30];
	[tilespmem:s7+$0xC0] =	vst v1;
	v1 =	vmul.f32 $8.000000000e+00, v3  }
0x4e: {  	v3 =	vld [tilespmem:s28+$0xFFFFFF40];
	v4 =	vmul.f32 $8.000000000e+00, v4;
	[tilespmem:s7+$0xD0] =	vst v0  }
0x4f: {  	v0 =	vld [tilespmem:s28+$0xFFFFFF50];
	v7 =	vmul.f32 $8.000000000e+00, v7;
	[tilespmem:s7+$0xE0] =	vst v1  }
0x50: {  	v1 =	vmul.f32 $8.000000000e+00, v5;
	v5 =	vld [tilespmem:s28+$0xFFFFFF60];
	[tilespmem:s7+$0xFFFFFF00] =	vst v4;
	s7 =	smov.u32 s28  }
0x51: {  	v4 =	vmul.f32 $8.000000000e+00, v6;
	v6 =	vld [tilespmem:s28+$0xFFFFFF70];
	[tilespmem:s28+$0xF0] =	vst v7  }
0x52: {  	[tilespmem:s28+$0xFFFFFF10] =	vst v1;
	v1 =	vmul.f32 $8.000000000e+00, v2;
	v2 =	vld [tilespmem:s28+$0xFFFFFF80]  }
0x53: {  	[tilespmem:s28+$0xFFFFFF20] =	vst v4;
	v3 =	vmul.f32 $8.000000000e+00, v3;
	v4 =	vld [tilespmem:s28+$0xFFFFFF90]  }
0x54: {  	[tilespmem:s28+$0xFFFFFF30] =	vst v1;
	v0 =	vmul.f32 $8.000000000e+00, v0;
	v1 =	vld [tilespmem:s28+$0xFFFFFFA0]  }
0x55: {  	[tilespmem:s28+$0xFFFFFF40] =	vst v3;
	v3 =	vmul.f32 $8.000000000e+00, v5;
	v5 =	vld [tilespmem:s28+$0xFFFFFFB0]  }
0x56: {  	[tilespmem:s28+$0xFFFFFF50] =	vst v0;
	v0 =	vmul.f32 $8.000000000e+00, v6;
	v6 =	vld [tilespmem:s28+$0xFFFFFFC0]  }
0x57: {  	[tilespmem:s28+$0xFFFFFF60] =	vst v3;
	v2 =	vmul.f32 $8.000000000e+00, v2;
	v3 =	vld [tilespmem:s28+$0xFFFFFFD0]  }
0x58: {  	[tilespmem:s28+$0xFFFFFF70] =	vst v0;
	v0 =	vmul.f32 $8.000000000e+00, v4;
	v4 =	vld [tilespmem:s28+$0xFFFFFFE0]  }
0x59: {  	[tilespmem:s28+$0xFFFFFF80] =	vst v2;
	v1 =	vmul.f32 $8.000000000e+00, v1;
	v2 =	vld [tilespmem:s28+$0xFFFFFFF0]  }
0x5a: {  	[tilespmem:s28+$0xFFFFFF90] =	vst v0;
	v0 =	vmul.f32 $8.000000000e+00, v5;
	v5 =	vld [tilespmem:s28+$0x0]  }
0x5b: {  	[tilespmem:s28+$0xFFFFFFA0] =	vst v1;
	v1 =	vmul.f32 $8.000000000e+00, v6;
	v6 =	vld [tilespmem:s28+$0x10]  }
0x5c: {  	[tilespmem:s28+$0xFFFFFFB0] =	vst v0;
	v0 =	vmul.f32 $8.000000000e+00, v3;
	v3 =	vld [tilespmem:s28+$0x20]  }
0x5d: {  	[tilespmem:s28+$0xFFFFFFC0] =	vst v1;
	v1 =	vmul.f32 $8.000000000e+00, v4;
	v4 =	vld [tilespmem:s28+$0x30]  }
0x5e: {  	[tilespmem:s28+$0xFFFFFFD0] =	vst v0;
	v0 =	vmul.f32 $8.000000000e+00, v2;
	v2 =	vld [tilespmem:s28+$0x40]  }
0x5f: {  	[tilespmem:s28+$0xFFFFFFE0] =	vst v1;
	v1 =	vmul.f32 $8.000000000e+00, v5;
	v5 =	vld [tilespmem:s28+$0x50]  }
0x60: {  	[tilespmem:s28+$0xFFFFFFF0] =	vst v0;
	v0 =	vmul.f32 $8.000000000e+00, v6;
	v6 =	vld [tilespmem:s28+$0x60]  }
0x61: {  	[tilespmem:s28+$0x0] =	vst v1;
	v1 =	vmul.f32 $8.000000000e+00, v3;
	v3 =	vld [tilespmem:s28+$0x70]  }
0x62: {  	[tilespmem:s28+$0x10] =	vst v0;
	v0 =	vmul.f32 $8.000000000e+00, v4;
	v4 =	vld [tilespmem:s28+$0x80]  }
0x63: {  	[tilespmem:s28+$0x20] =	vst v1;
	v1 =	vmul.f32 $8.000000000e+00, v2;
	v7 =	vld [tilespmem:s28+$0x90]  }
0x64: {  	[tilespmem:s28+$0x30] =	vst v0;
	v2 =	vmul.f32 $8.000000000e+00, v5;
	v8 =	vld [tilespmem:s28+$0xA0]  }
.Ltmp0:
0x65: {  	[tilespmem:s28+$0x40] =	vst v1;
	v5 =	vmul.f32 $8.000000000e+00, v6;
	v0 =	vld [tilespmem:s28+$0xB0];
	(pc) =	sbr.rel @p1 .LBB2_3-.Ltmp0, $4  }
0x66: {  	[tilespmem:s28+$0x50] =	vst v2;
	v3 =	vmul.f32 $8.000000000e+00, v3;
	v1 =	vld [tilespmem:s28+$0xC0]  }
0x67: {  	[tilespmem:s28+$0x60] =	vst v5;
	v6 =	vmul.f32 $8.000000000e+00, v4;
	v2 =	vld [tilespmem:s28+$0xD0]  }
0x68: {  	[tilespmem:s28+$0x70] =	vst v3;
	v5 =	vmul.f32 $8.000000000e+00, v7;
	v3 =	vld [tilespmem:s28+$0xE0]  }
0x69: {  	s28 =	sadd.s32 $0x200, s28;
	v4 =	vld [tilespmem:s7+$0xFFFFFF00];
	[tilespmem:s7+$0x80] =	vst v6;
	v6 =	vmul.f32 $8.000000000e+00, v8  }
0x6a: {  	[tilespmem:s7+$0x90] =	vst v5;
	v0 =	vmul.f32 $8.000000000e+00, v0  }
0x6b: {  	[tilespmem:s7+$0xA0] =	vst v6;
	v1 =	vmul.f32 $8.000000000e+00, v1  }
0x6c: {  	[tilespmem:s7+$0xB0] =	vst v0;
	v0 =	vmul.f32 $8.000000000e+00, v2  }
0x6d: {  	s26 =	sadd.s32 s6, s1;
	[tilespmem:s7+$0xC0] =	vst v1;
	v1 =	vmul.f32 $8.000000000e+00, v3  }
0x6e: {  	s26 =	smul.u32 $0xC80, s26;
	v2 =	vmul.f32 $8.000000000e+00, v4;
	[tilespmem:s7+$0xD0] =	vst v0  }
0x6f: {  	[tilespmem:s7+$0xE0] =	vst v1  }
0x70: {  	s8 =	sor.u32 $0x3, s8;
	s26 =	sadd.s32 s5, s26;
	[tilespmem:s7+$0xFFFFFF00] =	vst v2;
	s7 =	simm.s32 @!p0 $0x8  }
0x71: {  	[hbm4b:s26+s19] =	stream.strided.scatter [tilespmem:s14], [sflag:$0x5], $0x3200, s20, s19, $0x38;
	[tilespmem:$0xCB20] =	vst v63  }
0x72: {  	s26 =	smul.u32 $0x19, s8;
	_ =	swait.ge @!p0 [sflag:s7], $0x3200  }
0x73: {  	[sflag:s7] =	ssyncset.done @!p0 $0x0  }
0x74: {  	s26 =	sadd.s32 s2, s26;
	[sflag:s7] =	ssyncadd.s32 @!p0 $0xFFFFCE00  }
0x75: {  	[tilespmem:s21], [sflag:$0x9] =	stream.linear.gather [hbm4b:s26+s3], $0xC8, $0x38;
	[tilespmem:$0xCB20] =	vst v63  }
0x76: {  	_ =	swait.ge [sflag:s12], $0xC8  }
0x77: {  	[sflag:s12] =	ssyncset.done $0x0  }
0x78: {  	[sflag:s12] =	ssyncadd.s32 $0xFFFFFF38  }
0x79: {  	[tilespmem:s22], [sflag:$0x4] =	stream.indirect.gather [hbm4b:s4+s13], $0x40, s21, s13, $0xb8;
	[tilespmem:$0xCB20] =	vst v63  }
0x7a: {  	_ =	swait.ge [sflag:s23], $0x3200  }
0x7b: {  	[sflag:s23] =	ssyncset.done $0x0  }
0x7c: {  	s7 =	simm.s32 $0x3620;
	[sflag:s23] =	ssyncadd.s32 $0xFFFFCE00  }
0x7d: {  	v0 =	vld [tilespmem:s7+$0xF0]  }
0x7e: {  	v1 =	vld [tilespmem:s7+$0xFFFFFF10]  }
0x7f: {  	v2 =	vld [tilespmem:s7+$0xFFFFFF20]  }
0x80: {  	v3 =	vld [tilespmem:s7+$0xFFFFFF30]  }
0x81: {  	v4 =	vld [tilespmem:s7+$0xFFFFFF40]  }
0x82: {  	v5 =	vld [tilespmem:s7+$0xFFFFFF50];
	v0 =	vmul.f32 $8.000000000e+00, v0  }
0x83: {  	v6 =	vld [tilespmem:s7+$0xFFFFFF60];
	v1 =	vmul.f32 $8.000000000e+00, v1  }
0x84: {  	v7 =	vld [tilespmem:s7+$0xFFFFFF70];
	v2 =	vmul.f32 $8.000000000e+00, v2;
	[tilespmem:s7+$0xF0] =	vst v0  }
0x85: {  	[tilespmem:s7+$0xFFFFFF10] =	vst v1;
	v0 =	vmul.f32 $8.000000000e+00, v3;
	v1 =	vld [tilespmem:s7+$0xFFFFFF80]  }
0x86: {  	[tilespmem:s7+$0xFFFFFF20] =	vst v2;
	v2 =	vmul.f32 $8.000000000e+00, v4;
	v3 =	vld [tilespmem:s7+$0xFFFFFF90]  }
0x87: {  	v4 =	vld [tilespmem:s7+$0xFFFFFFA0];
	[tilespmem:s7+$0xFFFFFF30] =	vst v0;
	v0 =	vmul.f32 $8.000000000e+00, v5  }
0x88: {  	[tilespmem:s7+$0xFFFFFF40] =	vst v2;
	v2 =	vmul.f32 $8.000000000e+00, v6;
	v5 =	vld [tilespmem:s7+$0xFFFFFFB0]  }
0x89: {  	v6 =	vld [tilespmem:s7+$0xFFFFFFC0];
	[tilespmem:s7+$0xFFFFFF50] =	vst v0;
	v0 =	vmul.f32 $8.000000000e+00, v7  }
0x8a: {  	[tilespmem:s7+$0xFFFFFF60] =	vst v2;
	v2 =	vld [tilespmem:s7+$0xFFFFFFD0];
	v1 =	vmul.f32 $8.000000000e+00, v1  }
0x8b: {  	[tilespmem:s7+$0xFFFFFF70] =	vst v0;
	v0 =	vmul.f32 $8.000000000e+00, v3;
	v3 =	vld [tilespmem:s7+$0xFFFFFFE0]  }
0x8c: {  	[tilespmem:s7+$0xFFFFFF80] =	vst v1;
	v1 =	vmul.f32 $8.000000000e+00, v4;
	v4 =	vld [tilespmem:s7+$0xFFFFFFF0]  }
0x8d: {  	[tilespmem:s7+$0xFFFFFF90] =	vst v0;
	v0 =	vmul.f32 $8.000000000e+00, v5;
	v5 =	vld [tilespmem:s7+$0x0]  }
0x8e: {  	[tilespmem:s7+$0xFFFFFFA0] =	vst v1;
	v1 =	vmul.f32 $8.000000000e+00, v6;
	v6 =	vld [tilespmem:s7+$0x10]  }
0x8f: {  	[tilespmem:s7+$0xFFFFFFB0] =	vst v0;
	v0 =	vmul.f32 $8.000000000e+00, v2;
	v2 =	vld [tilespmem:s7+$0x20]  }
0x90: {  	[tilespmem:s7+$0xFFFFFFC0] =	vst v1;
	v1 =	vmul.f32 $8.000000000e+00, v3;
	v3 =	vld [tilespmem:s7+$0x30]  }
0x91: {  	[tilespmem:s7+$0xFFFFFFD0] =	vst v0;
	v0 =	vmul.f32 $8.000000000e+00, v4;
	v4 =	vld [tilespmem:s7+$0x40]  }
0x92: {  	[tilespmem:s7+$0xFFFFFFE0] =	vst v1;
	v1 =	vmul.f32 $8.000000000e+00, v5;
	v5 =	vld [tilespmem:s7+$0x50]  }
0x93: {  	[tilespmem:s7+$0xFFFFFFF0] =	vst v0;
	v0 =	vmul.f32 $8.000000000e+00, v6;
	v6 =	vld [tilespmem:s7+$0x60]  }
0x94: {  	[tilespmem:s7+$0x0] =	vst v1;
	v1 =	vmul.f32 $8.000000000e+00, v2;
	v2 =	vld [tilespmem:s7+$0x70]  }
0x95: {  	[tilespmem:s7+$0x10] =	vst v0;
	v0 =	vmul.f32 $8.000000000e+00, v3;
	v3 =	vld [tilespmem:s7+$0x80]  }
0x96: {  	[tilespmem:s7+$0x20] =	vst v1;
	v1 =	vmul.f32 $8.000000000e+00, v4;
	v4 =	vld [tilespmem:s7+$0x90]  }
0x97: {  	v7 =	vld [tilespmem:s7+$0xA0];
	[tilespmem:s7+$0x30] =	vst v0;
	v5 =	vmul.f32 $8.000000000e+00, v5  }
0x98: {  	v0 =	vld [tilespmem:s7+$0xB0];
	[tilespmem:s7+$0x40] =	vst v1;
	v6 =	vmul.f32 $8.000000000e+00, v6  }
0x99: {  	v1 =	vld [tilespmem:s7+$0xC0];
	[tilespmem:s7+$0x50] =	vst v5;
	v5 =	vmul.f32 $8.000000000e+00, v2  }
0x9a: {  	v2 =	vld [tilespmem:s7+$0xD0];
	[tilespmem:s7+$0x60] =	vst v6;
	v6 =	vmul.f32 $8.000000000e+00, v3  }
0x9b: {  	v3 =	vld [tilespmem:s7+$0xE0];
	[tilespmem:s7+$0x70] =	vst v5;
	v5 =	vmul.f32 $8.000000000e+00, v4  }
0x9c: {  	s28 =	simm.s32 $0x0;
	s29 =	simm.s32 $0x3820;
	s26 =	sor.u32 $0x1, s1;
	v4 =	vld [tilespmem:s7+$0xFFFFFF00];
	[tilespmem:s7+$0x80] =	vst v6;
	v6 =	vmul.f32 $8.000000000e+00, v7  }
.LBB2_5:
0x9d: {  	v7 =	vld [tilespmem:s29+$0xF0];
	s28 =	sadd.s32 $0x8, s28;
	[tilespmem:s7+$0x90] =	vst v5;
	v0 =	vmul.f32 $8.000000000e+00, v0  }
0x9e: {  	v5 =	vld [tilespmem:s29+$0xFFFFFF10];
	p0 =	slt.u32 s28, $0xC0;
	[tilespmem:s7+$0xA0] =	vst v6;
	v1 =	vmul.f32 $8.000000000e+00, v1  }
0x9f: {  	v6 =	vld [tilespmem:s29+$0xFFFFFF20];
	[tilespmem:s7+$0xB0] =	vst v0;
	v0 =	vmul.f32 $8.000000000e+00, v2  }
0xa0: {  	v2 =	vld [tilespmem:s29+$0xFFFFFF30];
	[tilespmem:s7+$0xC0] =	vst v1;
	v1 =	vmul.f32 $8.000000000e+00, v3  }
0xa1: {  	v3 =	vld [tilespmem:s29+$0xFFFFFF40];
	v4 =	vmul.f32 $8.000000000e+00, v4;
	[tilespmem:s7+$0xD0] =	vst v0  }
0xa2: {  	v0 =	vld [tilespmem:s29+$0xFFFFFF50];
	v7 =	vmul.f32 $8.000000000e+00, v7;
	[tilespmem:s7+$0xE0] =	vst v1  }
0xa3: {  	v1 =	vmul.f32 $8.000000000e+00, v5;
	v5 =	vld [tilespmem:s29+$0xFFFFFF60];
	[tilespmem:s7+$0xFFFFFF00] =	vst v4;
	s7 =	smov.u32 s29  }
0xa4: {  	v4 =	vmul.f32 $8.000000000e+00, v6;
	v6 =	vld [tilespmem:s29+$0xFFFFFF70];
	[tilespmem:s29+$0xF0] =	vst v7  }
0xa5: {  	[tilespmem:s29+$0xFFFFFF10] =	vst v1;
	v1 =	vmul.f32 $8.000000000e+00, v2;
	v2 =	vld [tilespmem:s29+$0xFFFFFF80]  }
0xa6: {  	[tilespmem:s29+$0xFFFFFF20] =	vst v4;
	v3 =	vmul.f32 $8.000000000e+00, v3;
	v4 =	vld [tilespmem:s29+$0xFFFFFF90]  }
0xa7: {  	[tilespmem:s29+$0xFFFFFF30] =	vst v1;
	v0 =	vmul.f32 $8.000000000e+00, v0;
	v1 =	vld [tilespmem:s29+$0xFFFFFFA0]  }
0xa8: {  	[tilespmem:s29+$0xFFFFFF40] =	vst v3;
	v3 =	vmul.f32 $8.000000000e+00, v5;
	v5 =	vld [tilespmem:s29+$0xFFFFFFB0]  }
0xa9: {  	[tilespmem:s29+$0xFFFFFF50] =	vst v0;
	v0 =	vmul.f32 $8.000000000e+00, v6;
	v6 =	vld [tilespmem:s29+$0xFFFFFFC0]  }
0xaa: {  	[tilespmem:s29+$0xFFFFFF60] =	vst v3;
	v2 =	vmul.f32 $8.000000000e+00, v2;
	v3 =	vld [tilespmem:s29+$0xFFFFFFD0]  }
0xab: {  	[tilespmem:s29+$0xFFFFFF70] =	vst v0;
	v0 =	vmul.f32 $8.000000000e+00, v4;
	v4 =	vld [tilespmem:s29+$0xFFFFFFE0]  }
0xac: {  	[tilespmem:s29+$0xFFFFFF80] =	vst v2;
	v1 =	vmul.f32 $8.000000000e+00, v1;
	v2 =	vld [tilespmem:s29+$0xFFFFFFF0]  }
0xad: {  	[tilespmem:s29+$0xFFFFFF90] =	vst v0;
	v0 =	vmul.f32 $8.000000000e+00, v5;
	v5 =	vld [tilespmem:s29+$0x0]  }
0xae: {  	[tilespmem:s29+$0xFFFFFFA0] =	vst v1;
	v1 =	vmul.f32 $8.000000000e+00, v6;
	v6 =	vld [tilespmem:s29+$0x10]  }
0xaf: {  	[tilespmem:s29+$0xFFFFFFB0] =	vst v0;
	v0 =	vmul.f32 $8.000000000e+00, v3;
	v3 =	vld [tilespmem:s29+$0x20]  }
0xb0: {  	[tilespmem:s29+$0xFFFFFFC0] =	vst v1;
	v1 =	vmul.f32 $8.000000000e+00, v4;
	v4 =	vld [tilespmem:s29+$0x30]  }
0xb1: {  	[tilespmem:s29+$0xFFFFFFD0] =	vst v0;
	v0 =	vmul.f32 $8.000000000e+00, v2;
	v2 =	vld [tilespmem:s29+$0x40]  }
0xb2: {  	[tilespmem:s29+$0xFFFFFFE0] =	vst v1;
	v1 =	vmul.f32 $8.000000000e+00, v5;
	v5 =	vld [tilespmem:s29+$0x50]  }
0xb3: {  	[tilespmem:s29+$0xFFFFFFF0] =	vst v0;
	v0 =	vmul.f32 $8.000000000e+00, v6;
	v6 =	vld [tilespmem:s29+$0x60]  }
0xb4: {  	[tilespmem:s29+$0x0] =	vst v1;
	v1 =	vmul.f32 $8.000000000e+00, v3;
	v3 =	vld [tilespmem:s29+$0x70]  }
0xb5: {  	[tilespmem:s29+$0x10] =	vst v0;
	v0 =	vmul.f32 $8.000000000e+00, v4;
	v4 =	vld [tilespmem:s29+$0x80]  }
0xb6: {  	[tilespmem:s29+$0x20] =	vst v1;
	v1 =	vmul.f32 $8.000000000e+00, v2;
	v7 =	vld [tilespmem:s29+$0x90]  }
0xb7: {  	[tilespmem:s29+$0x30] =	vst v0;
	v2 =	vmul.f32 $8.000000000e+00, v5;
	v8 =	vld [tilespmem:s29+$0xA0]  }
.Ltmp1:
0xb8: {  	[tilespmem:s29+$0x40] =	vst v1;
	v5 =	vmul.f32 $8.000000000e+00, v6;
	v0 =	vld [tilespmem:s29+$0xB0];
	(pc) =	sbr.rel @p0 .LBB2_5-.Ltmp1, $4  }
0xb9: {  	[tilespmem:s29+$0x50] =	vst v2;
	v3 =	vmul.f32 $8.000000000e+00, v3;
	v1 =	vld [tilespmem:s29+$0xC0]  }
0xba: {  	[tilespmem:s29+$0x60] =	vst v5;
	v6 =	vmul.f32 $8.000000000e+00, v4;
	v2 =	vld [tilespmem:s29+$0xD0]  }
0xbb: {  	[tilespmem:s29+$0x70] =	vst v3;
	v5 =	vmul.f32 $8.000000000e+00, v7;
	v3 =	vld [tilespmem:s29+$0xE0]  }
0xbc: {  	s29 =	sadd.s32 $0x200, s29;
	v4 =	vld [tilespmem:s7+$0xFFFFFF00];
	[tilespmem:s7+$0x80] =	vst v6;
	v6 =	vmul.f32 $8.000000000e+00, v8  }
0xbd: {  	[tilespmem:s7+$0x90] =	vst v5;
	v0 =	vmul.f32 $8.000000000e+00, v0  }
0xbe: {  	[tilespmem:s7+$0xA0] =	vst v6;
	v1 =	vmul.f32 $8.000000000e+00, v1  }
0xbf: {  	[tilespmem:s7+$0xB0] =	vst v0;
	v0 =	vmul.f32 $8.000000000e+00, v2  }
0xc0: {  	s26 =	sadd.s32 s6, s26;
	[tilespmem:s7+$0xC0] =	vst v1;
	v1 =	vmul.f32 $8.000000000e+00, v3  }
0xc1: {  	s26 =	smul.u32 $0xC80, s26;
	v2 =	vmul.f32 $8.000000000e+00, v4;
	[tilespmem:s7+$0xD0] =	vst v0  }
0xc2: {  	p0 =	seq.s32 s0, $0x1F;
	[tilespmem:s7+$0xE0] =	vst v1  }
0xc3: {  	s29 =	sadd.s32 s5, s26;
	s26 =	sadd.s32 @!p0 s1, s9;
	[tilespmem:s7+$0xFFFFFF00] =	vst v2;
	s7 =	simm.s32 @!p0 $0x5  }
0xc4: {  	[hbm4b:s29+s19] =	stream.strided.scatter [tilespmem:s15], [sflag:$0x6], $0x3200, s20, s19, $0x38;
	[tilespmem:$0xCB20] =	vst v63  }
0xc5: {  	s26 =	smul.u32 @!p0 $0x19, s26;
	_ =	swait.ge @!p0 [sflag:s7], $0x3200  }
0xc6: {  	[sflag:s7] =	ssyncset.done @!p0 $0x0  }
0xc7: {  	[sflag:s7] =	ssyncadd.s32 @!p0 $0xFFFFCE00;
	s7 =	sadd.s32 @!p0 s2, s26;
	s26 =	simm.s32 @!p0 $0x0  }
0xc8: {  	[tilespmem:s26], [sflag:$0x9] =	stream.linear.gather @!p0 [hbm4b:s7+s26], $0xC8, $0x38;
	[tilespmem:$0xCB20] =	vst v63  }
0xc9: {  	s7 =	simm.s32 @!p0 $0x9  }
0xca: {  	_ =	swait.ge @!p0 [sflag:s7], $0xC8  }
0xcb: {  	[sflag:s7] =	ssyncset.done @!p0 $0x0  }
0xcc: {  	s28 =	simm.s32 @!p0 $0x320;
	[sflag:s7] =	ssyncadd.s32 @!p0 $0xFFFFFF38;
	s7 =	simm.s32 @!p0 $0xC8  }
0xcd: {  	[tilespmem:s28], [sflag:$0x1] =	stream.indirect.gather @!p0 [hbm4b:s4+s7], $0x40, s26, s7, $0xb8;
	[tilespmem:$0xCB20] =	vst v63  }
0xce: {  	_ =	swait.ge [sflag:s24], $0x3200  }
0xcf: {  	[sflag:s24] =	ssyncset.done $0x0  }
0xd0: {  	s7 =	simm.s32 $0x6820;
	[sflag:s24] =	ssyncadd.s32 $0xFFFFCE00  }
0xd1: {  	v0 =	vld [tilespmem:s7+$0xF0]  }
0xd2: {  	v1 =	vld [tilespmem:s7+$0xFFFFFF10]  }
0xd3: {  	v2 =	vld [tilespmem:s7+$0xFFFFFF20]  }
0xd4: {  	v3 =	vld [tilespmem:s7+$0xFFFFFF30]  }
0xd5: {  	v4 =	vld [tilespmem:s7+$0xFFFFFF40]  }
0xd6: {  	v5 =	vld [tilespmem:s7+$0xFFFFFF50];
	v0 =	vmul.f32 $8.000000000e+00, v0  }
0xd7: {  	v6 =	vld [tilespmem:s7+$0xFFFFFF60];
	v1 =	vmul.f32 $8.000000000e+00, v1  }
0xd8: {  	v7 =	vld [tilespmem:s7+$0xFFFFFF70];
	v2 =	vmul.f32 $8.000000000e+00, v2;
	[tilespmem:s7+$0xF0] =	vst v0  }
0xd9: {  	[tilespmem:s7+$0xFFFFFF10] =	vst v1;
	v0 =	vmul.f32 $8.000000000e+00, v3;
	v1 =	vld [tilespmem:s7+$0xFFFFFF80]  }
0xda: {  	[tilespmem:s7+$0xFFFFFF20] =	vst v2;
	v2 =	vmul.f32 $8.000000000e+00, v4;
	v3 =	vld [tilespmem:s7+$0xFFFFFF90]  }
0xdb: {  	v4 =	vld [tilespmem:s7+$0xFFFFFFA0];
	[tilespmem:s7+$0xFFFFFF30] =	vst v0;
	v0 =	vmul.f32 $8.000000000e+00, v5  }
0xdc: {  	[tilespmem:s7+$0xFFFFFF40] =	vst v2;
	v2 =	vmul.f32 $8.000000000e+00, v6;
	v5 =	vld [tilespmem:s7+$0xFFFFFFB0]  }
0xdd: {  	v6 =	vld [tilespmem:s7+$0xFFFFFFC0];
	[tilespmem:s7+$0xFFFFFF50] =	vst v0;
	v0 =	vmul.f32 $8.000000000e+00, v7  }
0xde: {  	[tilespmem:s7+$0xFFFFFF60] =	vst v2;
	v2 =	vld [tilespmem:s7+$0xFFFFFFD0];
	v1 =	vmul.f32 $8.000000000e+00, v1  }
0xdf: {  	[tilespmem:s7+$0xFFFFFF70] =	vst v0;
	v0 =	vmul.f32 $8.000000000e+00, v3;
	v3 =	vld [tilespmem:s7+$0xFFFFFFE0]  }
0xe0: {  	[tilespmem:s7+$0xFFFFFF80] =	vst v1;
	v1 =	vmul.f32 $8.000000000e+00, v4;
	v4 =	vld [tilespmem:s7+$0xFFFFFFF0]  }
0xe1: {  	[tilespmem:s7+$0xFFFFFF90] =	vst v0;
	v0 =	vmul.f32 $8.000000000e+00, v5;
	v5 =	vld [tilespmem:s7+$0x0]  }
0xe2: {  	[tilespmem:s7+$0xFFFFFFA0] =	vst v1;
	v1 =	vmul.f32 $8.000000000e+00, v6;
	v6 =	vld [tilespmem:s7+$0x10]  }
0xe3: {  	[tilespmem:s7+$0xFFFFFFB0] =	vst v0;
	v0 =	vmul.f32 $8.000000000e+00, v2;
	v2 =	vld [tilespmem:s7+$0x20]  }
0xe4: {  	[tilespmem:s7+$0xFFFFFFC0] =	vst v1;
	v1 =	vmul.f32 $8.000000000e+00, v3;
	v3 =	vld [tilespmem:s7+$0x30]  }
0xe5: {  	[tilespmem:s7+$0xFFFFFFD0] =	vst v0;
	v0 =	vmul.f32 $8.000000000e+00, v4;
	v4 =	vld [tilespmem:s7+$0x40]  }
0xe6: {  	[tilespmem:s7+$0xFFFFFFE0] =	vst v1;
	v1 =	vmul.f32 $8.000000000e+00, v5;
	v5 =	vld [tilespmem:s7+$0x50]  }
0xe7: {  	[tilespmem:s7+$0xFFFFFFF0] =	vst v0;
	v0 =	vmul.f32 $8.000000000e+00, v6;
	v6 =	vld [tilespmem:s7+$0x60]  }
0xe8: {  	[tilespmem:s7+$0x0] =	vst v1;
	v1 =	vmul.f32 $8.000000000e+00, v2;
	v2 =	vld [tilespmem:s7+$0x70]  }
0xe9: {  	[tilespmem:s7+$0x10] =	vst v0;
	v0 =	vmul.f32 $8.000000000e+00, v3;
	v3 =	vld [tilespmem:s7+$0x80]  }
0xea: {  	[tilespmem:s7+$0x20] =	vst v1;
	v1 =	vmul.f32 $8.000000000e+00, v4;
	v4 =	vld [tilespmem:s7+$0x90]  }
0xeb: {  	v7 =	vld [tilespmem:s7+$0xA0];
	[tilespmem:s7+$0x30] =	vst v0;
	v5 =	vmul.f32 $8.000000000e+00, v5  }
0xec: {  	v0 =	vld [tilespmem:s7+$0xB0];
	[tilespmem:s7+$0x40] =	vst v1;
	v6 =	vmul.f32 $8.000000000e+00, v6  }
0xed: {  	v1 =	vld [tilespmem:s7+$0xC0];
	[tilespmem:s7+$0x50] =	vst v5;
	v5 =	vmul.f32 $8.000000000e+00, v2  }
0xee: {  	v2 =	vld [tilespmem:s7+$0xD0];
	[tilespmem:s7+$0x60] =	vst v6;
	v6 =	vmul.f32 $8.000000000e+00, v3  }
0xef: {  	v3 =	vld [tilespmem:s7+$0xE0];
	[tilespmem:s7+$0x70] =	vst v5;
	v5 =	vmul.f32 $8.000000000e+00, v4  }
0xf0: {  	s26 =	simm.s32 $0x0;
	s28 =	simm.s32 $0x6A20;
	v4 =	vld [tilespmem:s7+$0xFFFFFF00];
	[tilespmem:s7+$0x80] =	vst v6;
	v6 =	vmul.f32 $8.000000000e+00, v7  }
.LBB2_7:
0xf1: {  	v7 =	vld [tilespmem:s28+$0xF0];
	s26 =	sadd.s32 $0x8, s26;
	[tilespmem:s7+$0x90] =	vst v5;
	v0 =	vmul.f32 $8.000000000e+00, v0  }
0xf2: {  	v5 =	vld [tilespmem:s28+$0xFFFFFF10];
	p1 =	slt.u32 s26, $0xC0;
	[tilespmem:s7+$0xA0] =	vst v6;
	v1 =	vmul.f32 $8.000000000e+00, v1  }
0xf3: {  	v6 =	vld [tilespmem:s28+$0xFFFFFF20];
	[tilespmem:s7+$0xB0] =	vst v0;
	v0 =	vmul.f32 $8.000000000e+00, v2  }
0xf4: {  	v2 =	vld [tilespmem:s28+$0xFFFFFF30];
	[tilespmem:s7+$0xC0] =	vst v1;
	v1 =	vmul.f32 $8.000000000e+00, v3  }
0xf5: {  	v3 =	vld [tilespmem:s28+$0xFFFFFF40];
	v4 =	vmul.f32 $8.000000000e+00, v4;
	[tilespmem:s7+$0xD0] =	vst v0  }
0xf6: {  	v0 =	vld [tilespmem:s28+$0xFFFFFF50];
	v7 =	vmul.f32 $8.000000000e+00, v7;
	[tilespmem:s7+$0xE0] =	vst v1  }
0xf7: {  	v1 =	vmul.f32 $8.000000000e+00, v5;
	v5 =	vld [tilespmem:s28+$0xFFFFFF60];
	[tilespmem:s7+$0xFFFFFF00] =	vst v4;
	s7 =	smov.u32 s28  }
0xf8: {  	v4 =	vmul.f32 $8.000000000e+00, v6;
	v6 =	vld [tilespmem:s28+$0xFFFFFF70];
	[tilespmem:s28+$0xF0] =	vst v7  }
0xf9: {  	[tilespmem:s28+$0xFFFFFF10] =	vst v1;
	v1 =	vmul.f32 $8.000000000e+00, v2;
	v2 =	vld [tilespmem:s28+$0xFFFFFF80]  }
0xfa: {  	[tilespmem:s28+$0xFFFFFF20] =	vst v4;
	v3 =	vmul.f32 $8.000000000e+00, v3;
	v4 =	vld [tilespmem:s28+$0xFFFFFF90]  }
0xfb: {  	[tilespmem:s28+$0xFFFFFF30] =	vst v1;
	v0 =	vmul.f32 $8.000000000e+00, v0;
	v1 =	vld [tilespmem:s28+$0xFFFFFFA0]  }
0xfc: {  	[tilespmem:s28+$0xFFFFFF40] =	vst v3;
	v3 =	vmul.f32 $8.000000000e+00, v5;
	v5 =	vld [tilespmem:s28+$0xFFFFFFB0]  }
0xfd: {  	[tilespmem:s28+$0xFFFFFF50] =	vst v0;
	v0 =	vmul.f32 $8.000000000e+00, v6;
	v6 =	vld [tilespmem:s28+$0xFFFFFFC0]  }
0xfe: {  	[tilespmem:s28+$0xFFFFFF60] =	vst v3;
	v2 =	vmul.f32 $8.000000000e+00, v2;
	v3 =	vld [tilespmem:s28+$0xFFFFFFD0]  }
0xff: {  	[tilespmem:s28+$0xFFFFFF70] =	vst v0;
	v0 =	vmul.f32 $8.000000000e+00, v4;
	v4 =	vld [tilespmem:s28+$0xFFFFFFE0]  }
0x100: {  	[tilespmem:s28+$0xFFFFFF80] =	vst v2;
	v1 =	vmul.f32 $8.000000000e+00, v1;
	v2 =	vld [tilespmem:s28+$0xFFFFFFF0]  }
0x101: {  	[tilespmem:s28+$0xFFFFFF90] =	vst v0;
	v0 =	vmul.f32 $8.000000000e+00, v5;
	v5 =	vld [tilespmem:s28+$0x0]  }
0x102: {  	[tilespmem:s28+$0xFFFFFFA0] =	vst v1;
	v1 =	vmul.f32 $8.000000000e+00, v6;
	v6 =	vld [tilespmem:s28+$0x10]  }
0x103: {  	[tilespmem:s28+$0xFFFFFFB0] =	vst v0;
	v0 =	vmul.f32 $8.000000000e+00, v3;
	v3 =	vld [tilespmem:s28+$0x20]  }
0x104: {  	[tilespmem:s28+$0xFFFFFFC0] =	vst v1;
	v1 =	vmul.f32 $8.000000000e+00, v4;
	v4 =	vld [tilespmem:s28+$0x30]  }
0x105: {  	[tilespmem:s28+$0xFFFFFFD0] =	vst v0;
	v0 =	vmul.f32 $8.000000000e+00, v2;
	v2 =	vld [tilespmem:s28+$0x40]  }
0x106: {  	[tilespmem:s28+$0xFFFFFFE0] =	vst v1;
	v1 =	vmul.f32 $8.000000000e+00, v5;
	v5 =	vld [tilespmem:s28+$0x50]  }
0x107: {  	[tilespmem:s28+$0xFFFFFFF0] =	vst v0;
	v0 =	vmul.f32 $8.000000000e+00, v6;
	v6 =	vld [tilespmem:s28+$0x60]  }
0x108: {  	[tilespmem:s28+$0x0] =	vst v1;
	v1 =	vmul.f32 $8.000000000e+00, v3;
	v3 =	vld [tilespmem:s28+$0x70]  }
0x109: {  	[tilespmem:s28+$0x10] =	vst v0;
	v0 =	vmul.f32 $8.000000000e+00, v4;
	v4 =	vld [tilespmem:s28+$0x80]  }
0x10a: {  	[tilespmem:s28+$0x20] =	vst v1;
	v1 =	vmul.f32 $8.000000000e+00, v2;
	v7 =	vld [tilespmem:s28+$0x90]  }
0x10b: {  	[tilespmem:s28+$0x30] =	vst v0;
	v2 =	vmul.f32 $8.000000000e+00, v5;
	v8 =	vld [tilespmem:s28+$0xA0]  }
.Ltmp2:
0x10c: {  	[tilespmem:s28+$0x40] =	vst v1;
	v5 =	vmul.f32 $8.000000000e+00, v6;
	v0 =	vld [tilespmem:s28+$0xB0];
	(pc) =	sbr.rel @p1 .LBB2_7-.Ltmp2, $4  }
0x10d: {  	[tilespmem:s28+$0x50] =	vst v2;
	v3 =	vmul.f32 $8.000000000e+00, v3;
	v1 =	vld [tilespmem:s28+$0xC0]  }
0x10e: {  	[tilespmem:s28+$0x60] =	vst v5;
	v6 =	vmul.f32 $8.000000000e+00, v4;
	v2 =	vld [tilespmem:s28+$0xD0]  }
0x10f: {  	[tilespmem:s28+$0x70] =	vst v3;
	v5 =	vmul.f32 $8.000000000e+00, v7;
	v3 =	vld [tilespmem:s28+$0xE0]  }
0x110: {  	s28 =	sadd.s32 $0x200, s28;
	v4 =	vld [tilespmem:s7+$0xFFFFFF00];
	[tilespmem:s7+$0x80] =	vst v6;
	v6 =	vmul.f32 $8.000000000e+00, v8  }
0x111: {  	[tilespmem:s7+$0x90] =	vst v5;
	v0 =	vmul.f32 $8.000000000e+00, v0  }
0x112: {  	[tilespmem:s7+$0xA0] =	vst v6;
	v1 =	vmul.f32 $8.000000000e+00, v1  }
0x113: {  	[tilespmem:s7+$0xB0] =	vst v0;
	v0 =	vmul.f32 $8.000000000e+00, v2  }
0x114: {  	[tilespmem:s7+$0xC0] =	vst v1;
	v1 =	vmul.f32 $8.000000000e+00, v3  }
0x115: {  	s11 =	smul.u32 $0xC80, s11;
	v2 =	vmul.f32 $8.000000000e+00, v4;
	[tilespmem:s7+$0xD0] =	vst v0  }
0x116: {  	[tilespmem:s7+$0xE0] =	vst v1  }
0x117: {  	s1 =	sadd.s32 @!p0 s1, s10;
	s29 =	sadd.s32 s5, s11;
	[tilespmem:s7+$0xFFFFFF00] =	vst v2;
	s7 =	simm.s32 @!p0 $0x6  }
0x118: {  	[hbm4b:s29+s19] =	stream.strided.scatter [tilespmem:s17], [sflag:$0x7], $0x3200, s20, s19, $0x38;
	[tilespmem:$0xCB20] =	vst v63  }
0x119: {  	s1 =	smul.u32 @!p0 $0x19, s1;
	_ =	swait.ge @!p0 [sflag:s7], $0x3200  }
0x11a: {  	s11 =	simm.s32 @!p0 $0xC8;
	[sflag:s7] =	ssyncset.done @!p0 $0x0  }
0x11b: {  	s1 =	sadd.s32 @!p0 s2, s1;
	[sflag:s7] =	ssyncadd.s32 @!p0 $0xFFFFCE00;
	s7 =	simm.s32 @!p0 $0x0  }
0x11c: {  	[tilespmem:s11], [sflag:$0x9] =	stream.linear.gather @!p0 [hbm4b:s1+s7], $0xC8, $0x38;
	[tilespmem:$0xCB20] =	vst v63  }
0x11d: {  	s1 =	simm.s32 @!p0 $0x9  }
0x11e: {  	_ =	swait.ge @!p0 [sflag:s1], $0xC8  }
0x11f: {  	[sflag:s1] =	ssyncset.done @!p0 $0x0  }
0x120: {  	[sflag:s1] =	ssyncadd.s32 @!p0 $0xFFFFFF38;
	s1 =	simm.s32 @!p0 $0x3520  }
0x121: {  	[tilespmem:s1], [sflag:$0x2] =	stream.indirect.gather @!p0 [hbm4b:s4+s11], $0x40, s11, s11, $0xb8;
	[tilespmem:$0xCB20] =	vst v63  }
0x122: {  	_ =	swait.ge [sflag:s25], $0x3200  }
0x123: {  	[sflag:s25] =	ssyncset.done $0x0  }
0x124: {  	s1 =	simm.s32 $0x9A20;
	[sflag:s25] =	ssyncadd.s32 $0xFFFFCE00  }
0x125: {  	v0 =	vld [tilespmem:s1+$0xF0]  }
0x126: {  	v1 =	vld [tilespmem:s1+$0xFFFFFF10]  }
0x127: {  	v2 =	vld [tilespmem:s1+$0xFFFFFF20]  }
0x128: {  	v3 =	vld [tilespmem:s1+$0xFFFFFF30]  }
0x129: {  	v4 =	vld [tilespmem:s1+$0xFFFFFF40]  }
0x12a: {  	v5 =	vld [tilespmem:s1+$0xFFFFFF50];
	v0 =	vmul.f32 $8.000000000e+00, v0  }
0x12b: {  	v6 =	vld [tilespmem:s1+$0xFFFFFF60];
	v1 =	vmul.f32 $8.000000000e+00, v1  }
0x12c: {  	v7 =	vld [tilespmem:s1+$0xFFFFFF70];
	v2 =	vmul.f32 $8.000000000e+00, v2;
	[tilespmem:s1+$0xF0] =	vst v0  }
0x12d: {  	[tilespmem:s1+$0xFFFFFF10] =	vst v1;
	v0 =	vmul.f32 $8.000000000e+00, v3;
	v1 =	vld [tilespmem:s1+$0xFFFFFF80]  }
0x12e: {  	[tilespmem:s1+$0xFFFFFF20] =	vst v2;
	v2 =	vmul.f32 $8.000000000e+00, v4;
	v3 =	vld [tilespmem:s1+$0xFFFFFF90]  }
0x12f: {  	v4 =	vld [tilespmem:s1+$0xFFFFFFA0];
	[tilespmem:s1+$0xFFFFFF30] =	vst v0;
	v0 =	vmul.f32 $8.000000000e+00, v5  }
0x130: {  	[tilespmem:s1+$0xFFFFFF40] =	vst v2;
	v2 =	vmul.f32 $8.000000000e+00, v6;
	v5 =	vld [tilespmem:s1+$0xFFFFFFB0]  }
0x131: {  	v6 =	vld [tilespmem:s1+$0xFFFFFFC0];
	[tilespmem:s1+$0xFFFFFF50] =	vst v0;
	v0 =	vmul.f32 $8.000000000e+00, v7  }
0x132: {  	[tilespmem:s1+$0xFFFFFF60] =	vst v2;
	v2 =	vld [tilespmem:s1+$0xFFFFFFD0];
	v1 =	vmul.f32 $8.000000000e+00, v1  }
0x133: {  	[tilespmem:s1+$0xFFFFFF70] =	vst v0;
	v0 =	vmul.f32 $8.000000000e+00, v3;
	v3 =	vld [tilespmem:s1+$0xFFFFFFE0]  }
0x134: {  	[tilespmem:s1+$0xFFFFFF80] =	vst v1;
	v1 =	vmul.f32 $8.000000000e+00, v4;
	v4 =	vld [tilespmem:s1+$0xFFFFFFF0]  }
0x135: {  	[tilespmem:s1+$0xFFFFFF90] =	vst v0;
	v0 =	vmul.f32 $8.000000000e+00, v5;
	v5 =	vld [tilespmem:s1+$0x0]  }
0x136: {  	[tilespmem:s1+$0xFFFFFFA0] =	vst v1;
	v1 =	vmul.f32 $8.000000000e+00, v6;
	v6 =	vld [tilespmem:s1+$0x10]  }
0x137: {  	[tilespmem:s1+$0xFFFFFFB0] =	vst v0;
	v0 =	vmul.f32 $8.000000000e+00, v2;
	v2 =	vld [tilespmem:s1+$0x20]  }
0x138: {  	[tilespmem:s1+$0xFFFFFFC0] =	vst v1;
	v1 =	vmul.f32 $8.000000000e+00, v3;
	v3 =	vld [tilespmem:s1+$0x30]  }
0x139: {  	[tilespmem:s1+$0xFFFFFFD0] =	vst v0;
	v0 =	vmul.f32 $8.000000000e+00, v4;
	v4 =	vld [tilespmem:s1+$0x40]  }
0x13a: {  	[tilespmem:s1+$0xFFFFFFE0] =	vst v1;
	v1 =	vmul.f32 $8.000000000e+00, v5;
	v5 =	vld [tilespmem:s1+$0x50]  }
0x13b: {  	[tilespmem:s1+$0xFFFFFFF0] =	vst v0;
	v0 =	vmul.f32 $8.000000000e+00, v6;
	v6 =	vld [tilespmem:s1+$0x60]  }
0x13c: {  	[tilespmem:s1+$0x0] =	vst v1;
	v1 =	vmul.f32 $8.000000000e+00, v2;
	v2 =	vld [tilespmem:s1+$0x70]  }
0x13d: {  	[tilespmem:s1+$0x10] =	vst v0;
	v0 =	vmul.f32 $8.000000000e+00, v3;
	v3 =	vld [tilespmem:s1+$0x80]  }
0x13e: {  	[tilespmem:s1+$0x20] =	vst v1;
	v1 =	vmul.f32 $8.000000000e+00, v4;
	v4 =	vld [tilespmem:s1+$0x90]  }
0x13f: {  	v7 =	vld [tilespmem:s1+$0xA0];
	[tilespmem:s1+$0x30] =	vst v0;
	v5 =	vmul.f32 $8.000000000e+00, v5  }
0x140: {  	v0 =	vld [tilespmem:s1+$0xB0];
	[tilespmem:s1+$0x40] =	vst v1;
	v6 =	vmul.f32 $8.000000000e+00, v6  }
0x141: {  	v1 =	vld [tilespmem:s1+$0xC0];
	[tilespmem:s1+$0x50] =	vst v5;
	v5 =	vmul.f32 $8.000000000e+00, v2  }
0x142: {  	v2 =	vld [tilespmem:s1+$0xD0];
	[tilespmem:s1+$0x60] =	vst v6;
	v6 =	vmul.f32 $8.000000000e+00, v3  }
0x143: {  	v3 =	vld [tilespmem:s1+$0xE0];
	[tilespmem:s1+$0x70] =	vst v5;
	v5 =	vmul.f32 $8.000000000e+00, v4  }
0x144: {  	s7 =	simm.s32 $0x0;
	s11 =	simm.s32 $0x9C20;
	v4 =	vld [tilespmem:s1+$0xFFFFFF00];
	[tilespmem:s1+$0x80] =	vst v6;
	v6 =	vmul.f32 $8.000000000e+00, v7  }
.LBB2_9:
0x145: {  	v7 =	vld [tilespmem:s11+$0xF0];
	s7 =	sadd.s32 $0x8, s7;
	[tilespmem:s1+$0x90] =	vst v5;
	v0 =	vmul.f32 $8.000000000e+00, v0  }
0x146: {  	v5 =	vld [tilespmem:s11+$0xFFFFFF10];
	p0 =	slt.u32 s7, $0xC0;
	[tilespmem:s1+$0xA0] =	vst v6;
	v1 =	vmul.f32 $8.000000000e+00, v1  }
0x147: {  	v6 =	vld [tilespmem:s11+$0xFFFFFF20];
	[tilespmem:s1+$0xB0] =	vst v0;
	v0 =	vmul.f32 $8.000000000e+00, v2  }
0x148: {  	v2 =	vld [tilespmem:s11+$0xFFFFFF30];
	[tilespmem:s1+$0xC0] =	vst v1;
	v1 =	vmul.f32 $8.000000000e+00, v3  }
0x149: {  	v3 =	vld [tilespmem:s11+$0xFFFFFF40];
	v4 =	vmul.f32 $8.000000000e+00, v4;
	[tilespmem:s1+$0xD0] =	vst v0  }
0x14a: {  	v0 =	vld [tilespmem:s11+$0xFFFFFF50];
	v7 =	vmul.f32 $8.000000000e+00, v7;
	[tilespmem:s1+$0xE0] =	vst v1  }
0x14b: {  	v1 =	vmul.f32 $8.000000000e+00, v5;
	v5 =	vld [tilespmem:s11+$0xFFFFFF60];
	[tilespmem:s1+$0xFFFFFF00] =	vst v4;
	s1 =	smov.u32 s11  }
0x14c: {  	v4 =	vmul.f32 $8.000000000e+00, v6;
	v6 =	vld [tilespmem:s11+$0xFFFFFF70];
	[tilespmem:s11+$0xF0] =	vst v7  }
0x14d: {  	[tilespmem:s11+$0xFFFFFF10] =	vst v1;
	v1 =	vmul.f32 $8.000000000e+00, v2;
	v2 =	vld [tilespmem:s11+$0xFFFFFF80]  }
0x14e: {  	[tilespmem:s11+$0xFFFFFF20] =	vst v4;
	v3 =	vmul.f32 $8.000000000e+00, v3;
	v4 =	vld [tilespmem:s11+$0xFFFFFF90]  }
0x14f: {  	[tilespmem:s11+$0xFFFFFF30] =	vst v1;
	v0 =	vmul.f32 $8.000000000e+00, v0;
	v1 =	vld [tilespmem:s11+$0xFFFFFFA0]  }
0x150: {  	[tilespmem:s11+$0xFFFFFF40] =	vst v3;
	v3 =	vmul.f32 $8.000000000e+00, v5;
	v5 =	vld [tilespmem:s11+$0xFFFFFFB0]  }
0x151: {  	[tilespmem:s11+$0xFFFFFF50] =	vst v0;
	v0 =	vmul.f32 $8.000000000e+00, v6;
	v6 =	vld [tilespmem:s11+$0xFFFFFFC0]  }
0x152: {  	[tilespmem:s11+$0xFFFFFF60] =	vst v3;
	v2 =	vmul.f32 $8.000000000e+00, v2;
	v3 =	vld [tilespmem:s11+$0xFFFFFFD0]  }
0x153: {  	[tilespmem:s11+$0xFFFFFF70] =	vst v0;
	v0 =	vmul.f32 $8.000000000e+00, v4;
	v4 =	vld [tilespmem:s11+$0xFFFFFFE0]  }
0x154: {  	[tilespmem:s11+$0xFFFFFF80] =	vst v2;
	v1 =	vmul.f32 $8.000000000e+00, v1;
	v2 =	vld [tilespmem:s11+$0xFFFFFFF0]  }
0x155: {  	[tilespmem:s11+$0xFFFFFF90] =	vst v0;
	v0 =	vmul.f32 $8.000000000e+00, v5;
	v5 =	vld [tilespmem:s11+$0x0]  }
0x156: {  	[tilespmem:s11+$0xFFFFFFA0] =	vst v1;
	v1 =	vmul.f32 $8.000000000e+00, v6;
	v6 =	vld [tilespmem:s11+$0x10]  }
0x157: {  	[tilespmem:s11+$0xFFFFFFB0] =	vst v0;
	v0 =	vmul.f32 $8.000000000e+00, v3;
	v3 =	vld [tilespmem:s11+$0x20]  }
0x158: {  	[tilespmem:s11+$0xFFFFFFC0] =	vst v1;
	v1 =	vmul.f32 $8.000000000e+00, v4;
	v4 =	vld [tilespmem:s11+$0x30]  }
0x159: {  	[tilespmem:s11+$0xFFFFFFD0] =	vst v0;
	v0 =	vmul.f32 $8.000000000e+00, v2;
	v2 =	vld [tilespmem:s11+$0x40]  }
0x15a: {  	[tilespmem:s11+$0xFFFFFFE0] =	vst v1;
	v1 =	vmul.f32 $8.000000000e+00, v5;
	v5 =	vld [tilespmem:s11+$0x50]  }
0x15b: {  	[tilespmem:s11+$0xFFFFFFF0] =	vst v0;
	v0 =	vmul.f32 $8.000000000e+00, v6;
	v6 =	vld [tilespmem:s11+$0x60]  }
0x15c: {  	[tilespmem:s11+$0x0] =	vst v1;
	v1 =	vmul.f32 $8.000000000e+00, v3;
	v3 =	vld [tilespmem:s11+$0x70]  }
0x15d: {  	[tilespmem:s11+$0x10] =	vst v0;
	v0 =	vmul.f32 $8.000000000e+00, v4;
	v4 =	vld [tilespmem:s11+$0x80]  }
0x15e: {  	[tilespmem:s11+$0x20] =	vst v1;
	v1 =	vmul.f32 $8.000000000e+00, v2;
	v7 =	vld [tilespmem:s11+$0x90]  }
0x15f: {  	[tilespmem:s11+$0x30] =	vst v0;
	v2 =	vmul.f32 $8.000000000e+00, v5;
	v8 =	vld [tilespmem:s11+$0xA0]  }
.Ltmp3:
0x160: {  	[tilespmem:s11+$0x40] =	vst v1;
	v5 =	vmul.f32 $8.000000000e+00, v6;
	v0 =	vld [tilespmem:s11+$0xB0];
	(pc) =	sbr.rel @p0 .LBB2_9-.Ltmp3, $4  }
0x161: {  	[tilespmem:s11+$0x50] =	vst v2;
	v3 =	vmul.f32 $8.000000000e+00, v3;
	v1 =	vld [tilespmem:s11+$0xC0]  }
0x162: {  	[tilespmem:s11+$0x60] =	vst v5;
	v6 =	vmul.f32 $8.000000000e+00, v4;
	v2 =	vld [tilespmem:s11+$0xD0]  }
0x163: {  	[tilespmem:s11+$0x70] =	vst v3;
	v5 =	vmul.f32 $8.000000000e+00, v7;
	v3 =	vld [tilespmem:s11+$0xE0]  }
0x164: {  	s11 =	sadd.s32 $0x200, s11;
	v4 =	vld [tilespmem:s1+$0xFFFFFF00];
	[tilespmem:s1+$0x80] =	vst v6;
	v6 =	vmul.f32 $8.000000000e+00, v8  }
0x165: {  	[tilespmem:s1+$0x90] =	vst v5;
	v0 =	vmul.f32 $8.000000000e+00, v0  }
0x166: {  	s0 =	sadd.s32 $0x1, s0;
	[tilespmem:s1+$0xA0] =	vst v6;
	v1 =	vmul.f32 $8.000000000e+00, v1  }
0x167: {  	p0 =	sne.s32 s0, $0x20;
	[tilespmem:s1+$0xB0] =	vst v0;
	v61 =	vmul.f32 $8.000000000e+00, v2  }
.Ltmp4:
0x168: {  	[tilespmem:s1+$0xC0] =	vst v1;
	v62 =	vmul.f32 $8.000000000e+00, v3;
	(pc) =	sbr.rel @p0 .LBB2_2-.Ltmp4, $4  }
0x169: {  	s7 =	smul.u32 $0xC80, s8;
	v63 =	vmul.f32 $8.000000000e+00, v4;
	[tilespmem:s1+$0xD0] =	vst v61  }
0x16a: {  	[tilespmem:s1+$0xE0] =	vst v62  }
0x16b: {  	s29 =	sadd.s32 s5, s7;
	[tilespmem:s1+$0xFFFFFF00] =	vst v63  }
0x16c: {  	[hbm4b:s29+s19] =	stream.strided.scatter [tilespmem:s22], [sflag:$0x8], $0x3200, s20, s19, $0x38;
	[tilespmem:$0xCB20] =	vst v63  }
0x16d: {  	s0 =	simm.s32 $0x5  }
0x16e: {  	_ =	swait.ge [sflag:s0], $0x3200  }
0x16f: {  	[sflag:s0] =	ssyncset.done $0x0  }
0x170: {  	s26 =	simm.s32 $0x6;
	[sflag:s0] =	ssyncadd.s32 $0xFFFFCE00  }
0x171: {  	_ =	swait.ge [sflag:s26], $0x3200  }
0x172: {  	[sflag:s26] =	ssyncset.done $0x0  }
0x173: {  	s28 =	simm.s32 $0x7;
	[sflag:s26] =	ssyncadd.s32 $0xFFFFCE00  }
0x174: {  	_ =	swait.ge [sflag:s28], $0x3200  }
0x175: {  	[sflag:s28] =	ssyncset.done $0x0  }
0x176: {  	[sflag:s28] =	ssyncadd.s32 $0xFFFFCE00  }
0x177: {  	_ =	swait.ge [sflag:s30], $0x3200  }
0x178: {  	s31 =	sadd.s32 $0x1, s31;
	s29 =	rddreg [dreg:$0x5]  }
0x179: {  	p0 =	sne.s32 s31, s29  }
.Ltmp5:
0x17a: {  	_ = 	snop;
	(pc) =	sbr.rel @p0 .LBB2_1-.Ltmp5, $3  }
0x17b: {  	_ =	sdelay $0x1  }
0x17c: {  	[sflag:s30] =	ssyncset.done $0x0  }
0x17d: {  	[sflag:s30] =	ssyncadd.s32 $0xFFFFCE00  }
0x17e: {  	_ =	sfence.sel $0x180000  }
0x17f: {  	[bflag:$0x0] =	sbarrier.arrive $0xFFFF  }
0x180: {  	_ =	strace $0x90000047  }
0x181: {  	s0 =	stileid.u32;
	[bflag:$0x2] =	sbarrier.arrive $0xFFFF  }
0x182: {  	p0 =	sne.s32 s0, $0x0;
	s0 =	rddreg [dreg:$0x2]  }
0x183: {  	s0 =	sadd.s32 @!p0 $0x100000, s0  }
0x184: {  	[sflag:s0] =	ssyncadd.tile.s32 @!p0 $0x1;
	_ =	shalt  }
.Lfunc_end2:
_tile_overlayer_lowered:
.L_overlay_start_2:
0x185: {  	(tag) =	ssettag $0x2  }
0x186: {  	s0 =	rddreg [dreg:$0x0];
	s2 =	stileid.u32  }
0x187: {  	s1 =	rddreg [dreg:$0x1];
	p0 =	sne.s32 s2, $0x0  }
0x188: {  	s3 =	rddreg [dreg:$0x2];
	[bflag:$0x3] =	sbarrier.arrive $0xFFFF;
	s2 =	simm.s32 @!p0 $0x1C09  }
0x189: {  	[timem:s3], [sflag:s2] =	dma.local @!p0 [hbm:s0], s1  }
0x18a: {  	s0 =	simm.s32 @!p0 $0x9  }
0x18b: {  	_ =	swait.ge @!p0 [sflag:s0], s1  }
0x18c: {  	s1 =	ssub.s32 @!p0 $0x0, s1;
	[sflag:s0] =	ssyncset.done @!p0 $0x0  }
0x18d: {  	[sflag:s0] =	ssyncadd.s32 @!p0 s1  }
0x18e: {  	[bflag:$0x3] =	sbarrier.arrive $0xFFFF  }
0x18f: {  	_ =	shalt  }

// kernel: sparse-core-data-format-call.cloned.1.call-start
scs
called_computation_lowered:
.L_overlay_start_0:
0x0: {  	s2 =	sld [smem:$0x3FD9]  }
0x1: {  	s3 =	sld [smem:$0x3FFE];
	_ =	sdelay $0x1  }
0x2: {  	s1 =	srdreg.scid  }
0x3: {  	s0 =	sand.u32 $0x1, s1  }
0x4: {  	s18 =	sshll.u32 s0, $0xA;
	s2 =	sadd.s32 s3, s2  }
0x5: {  	s2 =	sadd.s32 s2, s18  }
0x6: {  	[smem:$0x3FC6] =	sst s2  }
0x7: {  	_ = 	snop  }
0x8: {  	s2 =	sld [smem:$0x3FD0];
	(tm) =	ssettm $0x1  }
0x9: {  	s19 =	sld [smem:$0x3FFB];
	_ =	sdelay $0x3  }
0xa: {  	_ =	strace s19  }
0xb: {  	s3 =	sld [smem:$0x3FFC];
	_ =	sdelay $0x3  }
0xc: {  	_ =	strace s3  }
0xd: {  	s3 =	sld [smem:$0x3FFD];
	_ =	sdelay $0x3  }
0xe: {  	_ =	strace s3  }
0xf: {  	_ =	strace $0x8FFFFFFF  }
0x10: {  	s20 =	sld [smem:$0x3FDB];
	_ =	sdelay $0x1  }
0x11: {  	s4 =	simm.s32 $_scs_section_size  }
0x12: {  	s5 =	simm.s32 $_size__tile_overlayer_lowered;
	s6 =	simm.s32 $_tile_overlayer_lowered  }
0x13: {  	s23 =	simm.s32 $0x1BFF;
	s22 =	sshll.u32 s6, $0x1;
	s3 =	sadd.s32 s4, s20  }
0x14: {  	s7 =	simm.s32 $0x0;
	s21 =	sshll.u32 s5, $0x1;
	s5 =	sadd.s32 s22, s3  }
0x15: {  	[timem:s7], [sflag:s23] =	dma.local [hbm:s5], s21  }
0x16: {  	_ =	swait.ge [sflag:s23], s21  }
0x17: {  	s4 =	ssub.s32 $0x0, s21;
	[sflag:s23] =	ssyncset.done $0x0  }
0x18: {  	[sflag:s23] =	ssyncadd.s32 s4;
	_ =	sdelay $0x1  }
0x19: {  	s24 =	simm.s32 $0x1B8B  }
0x1a: {  	_ =	swait.ge [sflag:s24], $0x1  }
0x1b: {  	[sflag:s24] =	ssyncset.done $0x0  }
0x1c: {  	s26 =	simm.s32 $0x1B8E;
	s25 =	sld [smem:$0x3FFE];
	[sflag:s24] =	ssyncadd.s32 $0xFFFFFFFF  }
0x1d: {  	s27 =	simm.s32 $execute0_lowered;
	[smem:$0x3FD2] =	sst s26  }
0x1e: {  	s5 =	sshll.u32 s27, $0x1;
	_ =	strace $0x80000049;
	[dreg:$0x1] =	wrdreg $0xFFFFFFFF  }
0x1f: {  	s28 =	simm.s32 $_size_execute0_lowered;
	s3 =	sadd.s32 s3, s5;
	[dreg:$0x0] =	wrdreg $0x0  }
0x20: {  	s5 =	sshll.u32 s28, $0x1;
	[dreg:$0x2] =	wrdreg s3  }
0x21: {  	[dreg:$0x3] =	wrdreg s5  }
0x22: {  	[dreg:$0x4] =	wrdreg $0xC0  }
0x23: {  	_ =	task [dreg:s7], $0x5FFFF  }
0x24: {  	[dreg:$0x1] =	wrdreg $0xFFFFFFFF  }
0x25: {  	[dreg:$0x0] =	wrdreg $0x60  }
0x26: {  	[dreg:$0x2] =	wrdreg s25  }
0x27: {  	[dreg:$0x3] =	wrdreg s2  }
0x28: {  	[dreg:$0x4] =	wrdreg $0x9  }
0x29: {  	_ =	task.clear_ibuf [dreg:s7], $0x5FFFF;
	_ =	strace $0x90000049  }
0x2a: {  	s29 =	simm.s32 $0x9;
	_ =	strace $0x8000004B  }
0x2b: {  	_ =	swait.ge [sflag:s29], $0x1  }
0x2c: {  	[sflag:s29] =	ssyncadd.s32 $0xFFFFFFFF  }
0x2d: {  	_ =	strace $0x9000004B  }
0x2e: {  	_ =	sfence  }
0x2f: {  	s30 =	sld [smem:$0x0];
	_ =	sdelay $0x2  }
0x30: {  	s31 =	sshll.u32 s1, $0xD;
	s1 =	sshrl.u32 s1, $0x2  }
0x31: {  	s3 =	sand.u32 $0x4000, s31;
	s1 =	sadd.s32 s1, s30  }
0x32: {  	s0 =	sor.u32 s3, s0;
	s1 =	sshll.u32 s1, $0x11  }
0x33: {  	s0 =	sor.u32 s1, s0  }
0x34: {  	s0 =	sadd.s32 $0x8F2B, s0  }
0x35: {  	[sflag:s0] =	ssyncadd.remote.s32 $0x1  }
0x36: {  	_ =	sfence.sel $0xFFFF  }
0x37: {  	[dreg:$0x0] =	wrdreg $0xFFFFFFFF;
	(pc) =	sbr.abs _section_cstart, $3  }
0x38: {  	[dreg:$0x1] =	wrdreg $0xFFFFFFFF  }
0x39: {  	_ =	task.clear_ibuf [dreg:s7], $0x2FFFF;
	_ =	strace $0x9FFFFFFF  }
0x3a: {  	(tm) =	ssettm $0x7FFFFFFF  }
0x3b: {  	_ =	shalt  }
tec
execute0_lowered:
.L_overlay_start_1:
0x0: {  	(tag) =	ssettag $0x1  }
0x1: {  	s0 =	srdreg.scid  }
0x2: {  	s1 =	sshll.u32 s0, $0x4  }
0x3: {  	s0 =	stileid.u32;
	s1 =	sand.u32 $0x10, s1  }
0x4: {  	s1 =	sor.u32 s0, s1  }
0x5: {  	s6 =	rddreg [dreg:$0x0];
	s4 =	simm.s32 $0x1;
	s2 =	sshll.u32 s1, $0x7  }
0x6: {  	s7 =	simm.s32 $0x2;
	s12 =	simm.s32 $0x0;
	s1 =	ssub.s32 $0x1000, s2  }
0x7: {  	s8 =	simm.s32 $0x8000;
	s13 =	simm.s32 $0x0;
	s3 =	sand.u32 $0xF80, s1  }
0x8: {  	s9 =	simm.s32 $0x0;
	s5 =	sshrl.u32 s1, $0xC;
	p0 =	sne.s32 s3, $0x0  }
.Ltmp0:
0x9: {  	s1 =	rddreg [dreg:$0x2];
	s4 =	simm.s32 @!p0 $0x0;
	(pc) =	sbr.rel .LBB1_1-.Ltmp0, $4  }
0xa: {  	s11 =	simm.s32 $0x0;
	s3 =	rddreg [dreg:$0x1];
	s5 =	sadd.s32 s4, s5  }
0xb: {  	_ =	strace $0x8000004A;
	s4 =	simm.s32 $0x1;
	s5 =	smul.u32 $0xC8, s5  }
0xc: {  	s6 =	sadd.s32 $0xA00, s6;
	s10 =	smov.u32 s2;
	[sflag:s4] =	ssyncpa.u1 $0x0  }
0xd: {  	p0 =	por $0x0, $0x0;
	[sflag:s7] =	ssyncpa.u1 $0x0;
	s7 =	sor.u32 $0x1, s5  }
.LBB1_4:
0xe: {  	s16 =	sshll.u32 s13, $0x3;
	s17 =	sand.u32 $0x78, s13  }
0xf: {  	s30 =	sand.u32 $0x7E00, s13;
	s12 =	sshll.u32 s12, $0xF;
	s16 =	sand.u32 $0xC00, s16  }
0x10: {  	[tilespmem:s15+$0x810 ss:$0x81] =	vst.msk $0xffff, v2;
	s31 =	sand.u32 $0x7, s13;
	s16 =	sor.u32 s17, s16;
	s17 =	sadd.s32 s3, s30  }
0x11: {  	[tilespmem:s15+$0x1020 ss:$0x81] =	vst.msk $0xffff, v0;
	s13 =	sshll.u32 s31, $0x12;
	s12 =	sadd.s32 s12, s17;
	s16 =	sshrl.u32 s16, $0x3  }
0x12: {  	[tilespmem:s15+$0x0 ss:$0x81] =	vst.msk $0xffff, v1;
	s13 =	sor.u32 $0x400, s13;
	s12 =	sadd.s32 s16, s12  }
0x13: {  	[hbm4b:s12+s13] =	stream.strided.scatter [tilespmem:s14], [sflag:$0x2], $0x2000, s8, s13, $0x20;
	[tilespmem:$0x8080] =	vst v63  }
.LBB1_5:
0x14: {  	s14 =	sadd.s32 $0x1, s9  }
0x15: {  	s12 =	sadd.s32 $0x1000, s10;
	s16 =	smov.u32 s10;
	p2 =	sgt.s32 s14, $0xC7  }
0x16: {  	s16 =	smov.u32 @p2 s12  }
0x17: {  	s14 =	simm.s32 @p2 $0x0;
	p2 =	sgt.s32 s16, $0xFFF  }
0x18: {  	s16 =	smov.u32 @p2 s2;
	p2 =	sne.s32 s11, s7  }
.Ltmp1:
0x19: {  	p1 =	slt.u32 s11, $0x2;
	(pc) =	sbr.rel @!p2 .LBB1_6-.Ltmp1, $4  }
0x1a: {  	s15 =	simm.s32 @!p1 $0x2  }
0x1b: {  	s13 =	smov.u32 s10;
	p0 =	por !p0, !p0;
	_ =	swait.ge @!p1 [sflag:s15], $0x2000  }
0x1c: {  	s12 =	smov.u32 s9;
	[sflag:s15] =	ssyncset.done @!p1 $0x0;
	s9 =	smov.u32 s14  }
0x1d: {  	s11 =	sadd.s32 $0x1, s11;
	[sflag:s15] =	ssyncadd.s32 @!p1 $0xFFFFE000;
	s10 =	smov.u32 s16  }
.LBB1_1:
0x1e: {  	p1 =	sge.u32 s11, s5  }
0x1f: {  	s14 =	sand.u32 @!p1 $0x1FFFFFF, s9  }
0x20: {  	s15 =	smulhi.u32 @!p1 $0x147AE15, s14;
	_ =	sdelay $0x1  }
0x21: {  	s15 =	smul.u32 @!p1 $0xC8, s15  }
0x22: {  	s16 =	sxor.u32 @!p1 $0xFFFFFFFF, s11;
	s17 =	smul.u32 @!p1 $0xC80, s10  }
0x23: {  	s31 =	sadd.s32 $0xFFFFFFFF, s11;
	s16 =	sshll.u32 @!p1 s16, $0xD;
	s14 =	ssub.s32 @!p1 s14, s15  }
0x24: {  	s15 =	sand.u32 @!p1 $0x2000, s16;
	s16 =	sadd.s32 @!p1 s6, s17;
	s14 =	sshll.u32 @!p1 s14, $0x4  }
0x25: {  	s17 =	simm.s32 @!p1 $0x6400;
	s14 =	sadd.s32 @!p1 s14, s16;
	s16 =	simm.s32 @!p1 $0x40  }
0x26: {  	[tilespmem:s15], [sflag:$0x1] =	stream.strided.gather @!p1 [hbm4b:s14+s16], $0x2000, s17, s16, $0x38;
	[tilespmem:$0x8080] =	vst v63  }
0x27: {  	p1 =	sge.u32 s31, s5  }
.Ltmp2:
0x28: {  	_ = 	snop;
	(pc) =	sbr.rel @p1 .LBB1_5-.Ltmp2, $1  }
0x29: {  	_ =	sdelay $0x3  }
0x2a: {  	s14 =	simm.s32 $0x1  }
0x2b: {  	_ =	swait.ge [sflag:s4], $0x2000;
	s14 =	simm.s32 @!p0 $0x0  }
0x2c: {  	[sflag:s4] =	ssyncset.done $0x0;
	s15 =	sshll.u32 s14, $0xD  }
0x2d: {  	[sflag:s4] =	ssyncadd.s32 $0xFFFFE000;
	s18 =	sor.u32 $0x20, s15  }
0x2e: {  	s14 =	smul.u32 $0x8100, s14;
	v3 =	vld [tilespmem:s18+$0x10]  }
0x2f: {  	s30 =	sand.u32 $0x1, s11;
	v2 =	vld [tilespmem:s18+$0xFFFFFFF0]  }
0x30: {  	s15 =	smul.u32 $0x8100, s30;
	s14 =	sshrl.u32 s14, $0x2;
	v0 =	vld [tilespmem:s18+$0x0]  }
0x31: {  	v1 =	vld [tilespmem:s18+$0xFFFFFFE0];
	s16 =	sor.u32 $0x4000, s14  }
0x32: {  	s31 =	sshrl.u32 s15, $0x2;
	s15 =	sadd.s32 $0x0, s16  }
0x33: {  	s17 =	simm.s32 $0x4;
	s18 =	sadd.s32 $0x40, s18;
	s14 =	sor.u32 $0x4000, s31;
	[tilespmem:s15+$0x1830 ss:$0x81] =	vst.msk $0xffff, v3  }
.LBB1_3:
0x34: {  	v3 =	vld [tilespmem:s18+$0x10];
	p1 =	sne.s32 s17, $0x1FC;
	[tilespmem:s15+$0x810 ss:$0x81] =	vst.msk $0xffff, v2;
	s19 =	smov.u32 s17;
	s17 =	sadd.s32 $0x4, s17  }
.Ltmp3:
0x35: {  	v2 =	vld [tilespmem:s18+$0xFFFFFFF0];
	[tilespmem:s15+$0x1020 ss:$0x81] =	vst.msk $0xffff, v0;
	(pc) =	sbr.rel @p1 .LBB1_3-.Ltmp3, $4  }
0x36: {  	v0 =	vld [tilespmem:s18+$0x0];
	[tilespmem:s15+$0x0 ss:$0x81] =	vst.msk $0xffff, v1  }
0x37: {  	s15 =	sshra.s32 s19, $0x2;
	v1 =	vld [tilespmem:s18+$0xFFFFFFE0]  }
0x38: {  	s15 =	sadd.s32 s15, s16  }
0x39: {  	s18 =	sadd.s32 $0x40, s18;
	[tilespmem:s15+$0x1830 ss:$0x81] =	vst.msk $0xffff, v3  }
.Ltmp4:
0x3a: {  	_ = 	snop;
	(pc) =	sbr.rel .LBB1_4-.Ltmp4, $1  }
0x3b: {  	_ =	sdelay $0x3  }
.LBB1_6:
0x3c: {  	_ =	sfence.sel $0x180000  }
0x3d: {  	s2 =	simm.s32 $0x1;
	[bflag:$0x0] =	sbarrier.arrive $0xFFFF  }
0x3e: {  	s31 =	simm.s32 $0x2;
	[sflag:s2] =	ssyncpa.u1 $0x1  }
0x3f: {  	[sflag:s31] =	ssyncpa.u1 $0x1  }
0x40: {  	p0 =	sne.s32 s0, $0x0;
	_ =	strace $0x9000004A  }
0x41: {  	s0 =	sadd.s32 @!p0 $0x100000, s1;
	[bflag:$0x2] =	sbarrier.arrive $0xFFFF  }
0x42: {  	[sflag:s0] =	ssyncadd.tile.s32 @!p0 $0x1;
	_ =	shalt  }
.Lfunc_end1:
_tile_overlayer_lowered:
.L_overlay_start_2:
0x43: {  	(tag) =	ssettag $0x2  }
0x44: {  	s0 =	rddreg [dreg:$0x0];
	s2 =	stileid.u32  }
0x45: {  	s1 =	rddreg [dreg:$0x1];
	p0 =	sne.s32 s2, $0x0  }
0x46: {  	s3 =	rddreg [dreg:$0x2];
	[bflag:$0x3] =	sbarrier.arrive $0xFFFF;
	s2 =	simm.s32 @!p0 $0x1C01  }
0x47: {  	[timem:s3], [sflag:s2] =	dma.local @!p0 [hbm:s0], s1  }
0x48: {  	s0 =	simm.s32 @!p0 $0x1  }
0x49: {  	_ =	swait.ge @!p0 [sflag:s0], s1  }
0x4a: {  	s1 =	ssub.s32 @!p0 $0x0, s1;
	[sflag:s0] =	ssyncset.done @!p0 $0x0  }
0x4b: {  	[sflag:s0] =	ssyncadd.s32 @!p0 s1  }
0x4c: {  	[bflag:$0x3] =	sbarrier.arrive $0xFFFF  }
0x4d: {  	_ =	shalt  }

</sc_bundles>
